<compile_context>
chip_gen: v7x
topology: tpu7x:2x2x1
jax: 0.10.2.dev20260603
libtpu: 0.0.44.dev20260713+nightly
codegen_flags: <defaults>
</compile_context>

<pallas_src>
import functools

import jax
import jax.numpy as jnp
from jax import lax
from jax.experimental import pallas as pl
from jax.experimental.pallas import tpu as pltpu
from jax.experimental.pallas import tpu_sc as plsc

EPS = 1e-5

N = 10000
FD = 128
NP = 10112
NC = 2
NS = 16
NW = NC * NS
K = 128
TPR = NP // NS

@functools.cache
def _mesh():
    return plsc.VectorSubcoreMesh(core_axis_name="c", subcore_axis_name="s",
                                  num_cores=NC, num_subcores=NS)


def _wid():
    return lax.axis_index("s") * NC + lax.axis_index("c")


HB = 16384
NHI = 80


def _prep_body(col2_ref, xp_ref, y_ref, dinvb_ref):
    nch = col2_ref.shape[0]

    def step(i, acc):
        c = col2_ref[i, :]
        hi = c // 128
        lo = c - hi * 128
        oh_hi = (hi[:, None] == lax.broadcasted_iota(jnp.int32, (HB, NHI), 1)
                 ).astype(jnp.bfloat16)
        oh_lo = (lo[:, None] == lax.broadcasted_iota(jnp.int32, (HB, FD), 1)
                 ).astype(jnp.bfloat16)
        return acc + lax.dot_general(
            oh_hi, oh_lo, (((0,), (0,)), ((), ())),
            preferred_element_type=jnp.float32)

    deg2d = lax.fori_loop(
        0, nch, step, jnp.zeros((NHI, FD), jnp.float32))
    dinv2d = jnp.where(deg2d > 0, lax.rsqrt(deg2d), 0.0)
    r_hi = lax.broadcasted_iota(jnp.int32, (NP, NHI), 0) // 128
    oh_rhi = (r_hi == lax.broadcasted_iota(jnp.int32, (NP, NHI), 1)
              ).astype(jnp.float32)
    g = lax.dot_general(oh_rhi, dinv2d, (((1,), (0,)), ((), ())),
                        preferred_element_type=jnp.float32)
    r_lo = (lax.broadcasted_iota(jnp.int32, (NP, FD), 0)
            - 128 * (lax.broadcasted_iota(jnp.int32, (NP, FD), 0) // 128))
    oh_rlo = (r_lo == lax.broadcasted_iota(jnp.int32, (NP, FD), 1)
              ).astype(jnp.float32)
    dinv_col = jnp.sum(g * oh_rlo, axis=1, keepdims=True)
    y_ref[...] = xp_ref[...] * dinv_col
    dinvb_ref[...] = jnp.broadcast_to(dinv_col, (NP, FD))


def _prep_call(col2, xp):
    return pl.pallas_call(
        _prep_body,
        out_shape=(jax.ShapeDtypeStruct((NP, FD), jnp.float32),
                   jax.ShapeDtypeStruct((NP, FD), jnp.float32)),
    )(col2, xp)


def _ax_body(n0, n1, row_hbm, col_hbm, y_hbm, zax_hbm, out_hbm,
             riv, civ, rows, sh_ax, sem):
    c = lax.axis_index("c")
    s = lax.axis_index("s")
    w = _wid()
    nb = jnp.where(c == 0, n0, n1)
    pltpu.sync_copy(zax_hbm.at[pl.ds(s * TPR, TPR)],
                    sh_ax.at[pl.ds(s * TPR, TPR)])
    plsc.subcore_barrier()

    def body(b, carry):
        pltpu.sync_copy(row_hbm.at[w, b], riv)
        pltpu.sync_copy(col_hbm.at[w, b], civ)
        pltpu.async_copy(y_hbm.at[riv], rows, sem).wait()
        pltpu.sync_copy(rows, sh_ax.at[civ], add=True)
        return carry

    lax.fori_loop(0, nb, body, 0)
    plsc.subcore_barrier()
    pltpu.sync_copy(sh_ax.at[pl.ds(s * TPR, TPR)],
                    out_hbm.at[c, pl.ds(s * TPR, TPR)])


def _ax_call(n0, n1, row_hbm, col_hbm, y, zax):
    f = functools.partial(
        pl.kernel,
        out_type=jax.ShapeDtypeStruct((NC, NP, FD), jnp.float32),
        mesh=_mesh(),
        scratch_types=[
            pltpu.VMEM((K,), jnp.int32),
            pltpu.VMEM((K,), jnp.int32),
            pltpu.VMEM((K, FD), jnp.float32),
            pltpu.VMEM_SHARED((NP, FD), jnp.float32),
            pltpu.SemaphoreType.DMA,
        ],
    )(functools.partial(_ax_body, n0, n1))
    return f(row_hbm, col_hbm, y, zax)


def _mlp2(h, W1, b1, g, bt, W2, b2):
    h = jnp.dot(h, W1, preferred_element_type=jnp.float32) + b1
    mean = jnp.mean(h, axis=0, keepdims=True)
    var = jnp.mean((h - mean) ** 2, axis=0, keepdims=True)
    h = (h - mean) * lax.rsqrt(var + EPS) * g + bt
    h = jnp.maximum(h, 0.0)
    return jnp.dot(h, W2, preferred_element_type=jnp.float32) + b2


def _dense_body(x_ref, axp_ref, dinvb_ref,
                Wx1_ref, bx1_ref, gx1_ref, btx1_ref, Wx2_ref, bx2_ref,
                Wa1_ref, ba1_ref, ga1_ref, bta1_ref, Wa2_ref, ba2_ref,
                Wf1_ref, bf1_ref, gf1_ref, btf1_ref, Wf2_ref, bf2_ref,
                out_ref):
    x = x_ref[...]
    ax = (axp_ref[0, :N, :] + axp_ref[1, :N, :]) * dinvb_ref[:N, :]
    h_x = _mlp2(x, Wx1_ref[...], bx1_ref[...], gx1_ref[...], btx1_ref[...],
                Wx2_ref[...], bx2_ref[...])
    h_a = _mlp2(ax, Wa1_ref[...], ba1_ref[...], ga1_ref[...], bta1_ref[...],
                Wa2_ref[...], ba2_ref[...])
    h = jnp.concatenate([h_x, h_a], axis=-1)
    out_ref[...] = _mlp2(h, Wf1_ref[...], bf1_ref[...], gf1_ref[...],
                         btf1_ref[...], Wf2_ref[...], bf2_ref[...])


def _dense_call(x, axp, dinvb, *weights):
    return pl.pallas_call(
        _dense_body,
        out_shape=jax.ShapeDtypeStruct((N, FD), jnp.float32),
    )(x, axp, dinvb, *weights)


def kernel(x, edge_index, Wx1, bx1, gx1, btx1, Wx2, bx2,
           Wa1, ba1, ga1, bta1, Wa2, ba2, Wf1, bf1, gf1, btf1, Wf2, bf2):
    e = edge_index.shape[1]
    ntot = -(-e // (NS * K))
    n0 = (ntot * 94 + 79) // 158
    n1 = ntot - n0
    ep = NS * ntot * K
    row = edge_index[0]
    col = edge_index[1]
    pad = jnp.full((ep - e,), N, jnp.int32)

    def _strips(v):
        vp = jnp.concatenate([v, pad])
        b0 = vp[:NS * n0 * K].reshape(NS, 1, n0, K)
        b1 = jnp.concatenate(
            [vp[NS * n0 * K:].reshape(NS, 1, n1, K),
             jnp.full((NS, 1, n0 - n1, K), N, jnp.int32)], axis=2)
        return jnp.concatenate([b0, b1], axis=1).reshape(NW, n0, K)

    row_hbm = _strips(row)
    col_hbm = _strips(col)
    zax = jnp.zeros((NP, FD), jnp.float32)
    xp = jnp.pad(x, ((0, NP - N), (0, 0)))
    nch = -(-e // HB)
    pad2 = jnp.full((nch * HB - e,), N, jnp.int32)
    col2 = jnp.concatenate([col, pad2]).reshape(nch, HB)

    y, dinvb = _prep_call(col2, xp)
    axp = _ax_call(n0, n1, row_hbm, col_hbm, y, zax)

    r = lambda v: v.reshape(1, -1)
    return _dense_call(
        x, axp, dinvb,
        Wx1, r(bx1), r(gx1), r(btx1), Wx2, r(bx2),
        Wa1, r(ba1), r(ga1), r(bta1), Wa2, r(ba2),
        Wf1, r(bf1), r(gf1), r(btf1), Wf2, r(bf2))

# --- scband reference (transcript-rebuilt; emitter-appended) ---
"""Pipeline reference for scband-linkx-24481313587823 (READ-ONLY COPY).

The authoritative reference and input builder live on the scoring server;
editing this copy changes nothing except your own understanding.
"""

import jax, jax.numpy as jnp
import numpy as np

EPS = 1e-5

def _bn(h, gamma, beta):
    mean = jnp.mean(h, axis=0)
    var = jnp.var(h, axis=0)
    return (h - mean) / jnp.sqrt(var + EPS) * gamma + beta

def _lin_params(k, din, dout):
    k1, k2 = jax.random.split(k)
    s = 1.0 / np.sqrt(din)
    W = jax.random.uniform(k1, (din, dout), minval=-s, maxval=s, dtype=jnp.float32)
    b = jax.random.uniform(k2, (dout,), minval=-s, maxval=s, dtype=jnp.float32)
    return W, b

def setup_inputs(seed: int = 0):
    key = jax.random.key(seed)
    ks = jax.random.split(key, 10)
    N, D, H, O, E = 10000, 128, 128, 128, 320000
    inp = {}
    inp['x'] = jax.random.normal(ks[0], (N, D), dtype=jnp.float32)
    inp['edge_index'] = jax.random.randint(ks[1], (2, E), 0, N, dtype=jnp.int32)
    # mlp_x params
    inp['Wx1'], inp['bx1'] = _lin_params(ks[2], D, H)
    inp['gx1'] = jnp.ones((H,), dtype=jnp.float32)
    inp['btx1'] = jnp.zeros((H,), dtype=jnp.float32)
    inp['Wx2'], inp['bx2'] = _lin_params(ks[3], H, H)
    # mlp_a params
    inp['Wa1'], inp['ba1'] = _lin_params(ks[4], D, H)
    inp['ga1'] = jnp.ones((H,), dtype=jnp.float32)
    inp['bta1'] = jnp.zeros((H,), dtype=jnp.float32)
    inp['Wa2'], inp['ba2'] = _lin_params(ks[5], H, H)
    # mlp_final params
    inp['Wf1'], inp['bf1'] = _lin_params(ks[6], 2 * H, H)
    inp['gf1'] = jnp.ones((H,), dtype=jnp.float32)
    inp['btf1'] = jnp.zeros((H,), dtype=jnp.float32)
    inp['Wf2'], inp['bf2'] = _lin_params(ks[7], H, O)
    return inp

def _mlp2(h, W1, b1, g, bt, W2, b2):
    h = h @ W1 + b1
    h = _bn(h, g, bt)
    h = jax.nn.relu(h)
    # dropout is identity in deterministic/eval reference
    h = h @ W2 + b2
    return h

def _compute_ax(x, edge_index):
    N = x.shape[0]
    row = edge_index[0]
    col = edge_index[1]
    E = row.shape[0]
    deg = jax.ops.segment_sum(jnp.ones((E,), dtype=x.dtype), col, num_segments=N)
    deg_inv = deg ** (-0.5)
    deg_inv = jnp.where(jnp.isinf(deg_inv), 0.0, deg_inv)
    norm = deg_inv[row] * deg_inv[col]
    msgs = norm[:, None] * jnp.take(x, row, axis=0)
    ax = jax.ops.segment_sum(msgs, col, num_segments=N)
    return ax

def reference(x, edge_index, Wx1, bx1, gx1, btx1, Wx2, bx2, Wa1, ba1, ga1, bta1, Wa2, ba2, Wf1, bf1, gf1, btf1, Wf2, bf2):
    h_x = _mlp2(x, Wx1, bx1, gx1, btx1, Wx2, bx2)
    ax = _compute_ax(x, edge_index)
    h_a = _mlp2(ax, Wa1, ba1, ga1, bta1, Wa2, ba2)
    h = jnp.concatenate([h_x, h_a], axis=-1)
    out = _mlp2(h, Wf1, bf1, gf1, btf1, Wf2, bf2)
    return out

if __name__ == "__main__":
    import jax
    _d = setup_inputs()
    print(jax.jit(kernel)(*tuple(_d.values())))

</pallas_src>

<mosaic_0001>
#map = affine_map<(d0, d1) -> (0, 0, 0)>
#map1 = affine_map<(d0, d1) -> (0, 0)>
module attributes {stable_mosaic.version = 14 : i64} {
  func.func @_ax_body(%arg0: i32, %arg1: i32, %arg2: memref<32x93x128xi32, #tpu.memory_space<hbm>>, %arg3: memref<32x93x128xi32, #tpu.memory_space<hbm>>, %arg4: memref<10112x128xf32, #tpu.memory_space<hbm>>, %arg5: memref<10112x128xf32, #tpu.memory_space<hbm>>, %arg6: memref<2x10112x128xf32, #tpu.memory_space<hbm>>, %arg7: memref<128xi32, #tpu.memory_space<vmem>>, %arg8: memref<128xi32, #tpu.memory_space<vmem>>, %arg9: memref<128x128xf32, #tpu.memory_space<vmem>>, %arg10: memref<10112x128xf32, #tpu.memory_space<vmem_shared>>, %arg11: memref<!tpu.dma_semaphore, #tpu.memory_space<semaphore_mem>>) attributes {dimension_semantics = [#tpu.dimension_semantics<core_parallel>, #tpu.dimension_semantics<subcore_parallel>], iteration_bounds = array<i64: 2, 16>, scalar_prefetch = 0 : i64, scratch_operands = 5 : i64, tpu.core_type = #tpu.core_type<sc_vector_subcore>, window_params = [{transform_indices = #map}, {transform_indices = #map}, {transform_indices = #map1}, {transform_indices = #map1}, {transform_indices = #map}]} {
    %mul3A = arith.constant 2 : i32
    %mul3A_0 = arith.muli %arg1, %mul3A : i32
    %add3A = arith.addi %mul3A_0, %arg0 : i32
    %eq3A = arith.constant 0 : i32
    %eq3A_1 = arith.cmpi eq, %arg0, %eq3A : i32
    %jit3A = arith.constant 93 : i32
    %jit3A_2 = arith.constant 64 : i32
    %select_n3A = arith.select %eq3A_1, %jit3A, %jit3A_2 : i32
    %mul3A_3 = arith.constant 632 : i32
    %mul3A_4 = arith.muli %arg1, %mul3A_3 : i32
    %mul3A_5 = arith.constant 632 : i32
    %mul3A_6 = arith.muli %arg1, %mul3A_5 : i32
    "tpu.region"() ({
      %run_scoped3A = tpu.sem_alloc : memref<!tpu.dma_semaphore, #tpu.memory_space<semaphore_mem>>
      %dma_start3A = arith.constant 0 : i32
      %dma_start3A_21 = tpu.memref_slice %arg10[%mul3A_6, %dma_start3A] : memref<10112x128xf32, #tpu.memory_space<vmem_shared>> -> memref<632x128xf32, #tpu.memory_space<vmem_shared>>
      %dma_start3A_22 = arith.constant 0 : i32
      %dma_start3A_23 = tpu.memref_slice %arg5[%mul3A_4, %dma_start3A_22] : memref<10112x128xf32, #tpu.memory_space<hbm>> -> memref<632x128xf32, #tpu.memory_space<hbm>>
      tpu.enqueue_dma source(%dma_start3A_23 : memref<632x128xf32, #tpu.memory_space<hbm>>) target(%dma_start3A_21 : memref<632x128xf32, #tpu.memory_space<vmem_shared>>) target_semaphore(%run_scoped3A : memref<!tpu.dma_semaphore, #tpu.memory_space<semaphore_mem>>)
      %dma_wait3A = arith.constant 0 : i32
      %dma_wait3A_24 = tpu.memref_slice %arg10[%mul3A_6, %dma_wait3A] : memref<10112x128xf32, #tpu.memory_space<vmem_shared>> -> memref<632x128xf32, #tpu.memory_space<vmem_shared>>
      %dma_wait3A_25 = arith.constant 0 : i32
      %dma_wait3A_26 = tpu.memref_slice %arg5[%mul3A_4, %dma_wait3A_25] : memref<10112x128xf32, #tpu.memory_space<hbm>> -> memref<632x128xf32, #tpu.memory_space<hbm>>
      tpu.wait_dma2 semaphore(%run_scoped3A : memref<!tpu.dma_semaphore, #tpu.memory_space<semaphore_mem>>) src(%dma_wait3A_26 : memref<632x128xf32, #tpu.memory_space<hbm>>) dst(%dma_wait3A_24 : memref<632x128xf32, #tpu.memory_space<vmem_shared>>)
      tpu.yield
    }) : () -> ()
    %barrier3A = arith.constant 0 : index
    tpu.barrier barrier_id(%barrier3A)
    %while3A = arith.constant 0 : i32
    %while3A_7 = arith.constant 0 : i32
    %while3A_8 = arith.subi %select_n3A, %while3A_7 : i32
    %while3A_9 = arith.addi %while3A_7, %while3A_8 : i32
    %while3A_10 = arith.constant 1 : i32
    %while3A_11 = arith.divsi %while3A_8, %while3A_10 : i32
    %while3A_12 = arith.muli %while3A_11, %while3A_10 : i32
    %while3A_13 = arith.addi %while3A_7, %while3A_12 : i32
    %while3A_14 = arith.constant 1 : i32
    scf.for %while3A_21 = %while3A_7 to %while3A_13 step %while3A_14  : i32 {
      "tpu.region"() ({
        %run_scoped3A = tpu.sem_alloc : memref<!tpu.dma_semaphore, #tpu.memory_space<semaphore_mem>>
        %dma_start3A_26 = arith.constant 0 : i32
        %dma_start3A_27 = tpu.memref_slice %arg2[%add3A, %while3A_21, %dma_start3A_26] : memref<32x93x128xi32, #tpu.memory_space<hbm>> -> memref<1x1x128xi32, #tpu.memory_space<hbm>>
        %dma_start3A_28 = tpu.memref_squeeze %dma_start3A_27 : memref<1x1x128xi32, #tpu.memory_space<hbm>> -> memref<128xi32, #tpu.memory_space<hbm>>
        %dma_start3A_29 = arith.constant 0 : i32
        %dma_start3A_30 = tpu.memref_slice %arg2[%add3A, %while3A_21, %dma_start3A_29] : memref<32x93x128xi32, #tpu.memory_space<hbm>> -> memref<1x1x128xi32, #tpu.memory_space<hbm>>
        %dma_start3A_31 = tpu.memref_squeeze %dma_start3A_30 : memref<1x1x128xi32, #tpu.memory_space<hbm>> -> memref<128xi32, #tpu.memory_space<hbm>>
        tpu.enqueue_dma source(%dma_start3A_31 : memref<128xi32, #tpu.memory_space<hbm>>) target(%arg7 : memref<128xi32, #tpu.memory_space<vmem>>) target_semaphore(%run_scoped3A : memref<!tpu.dma_semaphore, #tpu.memory_space<semaphore_mem>>)
        %dma_wait3A_32 = arith.constant 0 : i32
        %dma_wait3A_33 = tpu.memref_slice %arg2[%add3A, %while3A_21, %dma_wait3A_32] : memref<32x93x128xi32, #tpu.memory_space<hbm>> -> memref<1x1x128xi32, #tpu.memory_space<hbm>>
        %dma_wait3A_34 = tpu.memref_squeeze %dma_wait3A_33 : memref<1x1x128xi32, #tpu.memory_space<hbm>> -> memref<128xi32, #tpu.memory_space<hbm>>
        %dma_wait3A_35 = arith.constant 0 : i32
        %dma_wait3A_36 = tpu.memref_slice %arg2[%add3A, %while3A_21, %dma_wait3A_35] : memref<32x93x128xi32, #tpu.memory_space<hbm>> -> memref<1x1x128xi32, #tpu.memory_space<hbm>>
        %dma_wait3A_37 = tpu.memref_squeeze %dma_wait3A_36 : memref<1x1x128xi32, #tpu.memory_space<hbm>> -> memref<128xi32, #tpu.memory_space<hbm>>
        tpu.wait_dma2 semaphore(%run_scoped3A : memref<!tpu.dma_semaphore, #tpu.memory_space<semaphore_mem>>) src(%dma_wait3A_37 : memref<128xi32, #tpu.memory_space<hbm>>) dst(%arg7 : memref<128xi32, #tpu.memory_space<vmem>>)
        tpu.yield
      }) : () -> ()
      "tpu.region"() ({
        %run_scoped3A = tpu.sem_alloc : memref<!tpu.dma_semaphore, #tpu.memory_space<semaphore_mem>>
        %dma_start3A_26 = arith.constant 0 : i32
        %dma_start3A_27 = tpu.memref_slice %arg3[%add3A, %while3A_21, %dma_start3A_26] : memref<32x93x128xi32, #tpu.memory_space<hbm>> -> memref<1x1x128xi32, #tpu.memory_space<hbm>>
        %dma_start3A_28 = tpu.memref_squeeze %dma_start3A_27 : memref<1x1x128xi32, #tpu.memory_space<hbm>> -> memref<128xi32, #tpu.memory_space<hbm>>
        %dma_start3A_29 = arith.constant 0 : i32
        %dma_start3A_30 = tpu.memref_slice %arg3[%add3A, %while3A_21, %dma_start3A_29] : memref<32x93x128xi32, #tpu.memory_space<hbm>> -> memref<1x1x128xi32, #tpu.memory_space<hbm>>
        %dma_start3A_31 = tpu.memref_squeeze %dma_start3A_30 : memref<1x1x128xi32, #tpu.memory_space<hbm>> -> memref<128xi32, #tpu.memory_space<hbm>>
        tpu.enqueue_dma source(%dma_start3A_31 : memref<128xi32, #tpu.memory_space<hbm>>) target(%arg8 : memref<128xi32, #tpu.memory_space<vmem>>) target_semaphore(%run_scoped3A : memref<!tpu.dma_semaphore, #tpu.memory_space<semaphore_mem>>)
        %dma_wait3A_32 = arith.constant 0 : i32
        %dma_wait3A_33 = tpu.memref_slice %arg3[%add3A, %while3A_21, %dma_wait3A_32] : memref<32x93x128xi32, #tpu.memory_space<hbm>> -> memref<1x1x128xi32, #tpu.memory_space<hbm>>
        %dma_wait3A_34 = tpu.memref_squeeze %dma_wait3A_33 : memref<1x1x128xi32, #tpu.memory_space<hbm>> -> memref<128xi32, #tpu.memory_space<hbm>>
        %dma_wait3A_35 = arith.constant 0 : i32
        %dma_wait3A_36 = tpu.memref_slice %arg3[%add3A, %while3A_21, %dma_wait3A_35] : memref<32x93x128xi32, #tpu.memory_space<hbm>> -> memref<1x1x128xi32, #tpu.memory_space<hbm>>
        %dma_wait3A_37 = tpu.memref_squeeze %dma_wait3A_36 : memref<1x1x128xi32, #tpu.memory_space<hbm>> -> memref<128xi32, #tpu.memory_space<hbm>>
        tpu.wait_dma2 semaphore(%run_scoped3A : memref<!tpu.dma_semaphore, #tpu.memory_space<semaphore_mem>>) src(%dma_wait3A_37 : memref<128xi32, #tpu.memory_space<hbm>>) dst(%arg8 : memref<128xi32, #tpu.memory_space<vmem>>)
        tpu.yield
      }) : () -> ()
      %dma_start3A = arith.constant 0 : i32
      %dma_start3A_22 = arith.constant 0 : i32
      %dma_start3A_23 = tpu.memref_slice %arg4[%dma_start3A, %dma_start3A_22] : memref<10112x128xf32, #tpu.memory_space<hbm>> -> memref<10112x128xf32, #tpu.memory_space<hbm>>
      tpu.enqueue_indirect_dma source(%dma_start3A_23 : memref<10112x128xf32, #tpu.memory_space<hbm>>) target(%arg9 : memref<128x128xf32, #tpu.memory_space<vmem>>) offsets(%arg7 : memref<128xi32, #tpu.memory_space<vmem>>) semaphore(%arg11 : memref<!tpu.dma_semaphore, #tpu.memory_space<semaphore_mem>>)
      %dma_wait3A = arith.constant 0 : i32
      %dma_wait3A_24 = arith.constant 0 : i32
      %dma_wait3A_25 = tpu.memref_slice %arg4[%dma_wait3A, %dma_wait3A_24] : memref<10112x128xf32, #tpu.memory_space<hbm>> -> memref<10112x128xf32, #tpu.memory_space<hbm>>
      tpu.wait_indirect_dma semaphore(%arg11 : memref<!tpu.dma_semaphore, #tpu.memory_space<semaphore_mem>>) src(%dma_wait3A_25 : memref<10112x128xf32, #tpu.memory_space<hbm>>) dst(%arg9 : memref<128x128xf32, #tpu.memory_space<vmem>>)
      "tpu.region"() ({
        %run_scoped3A = tpu.sem_alloc : memref<!tpu.dma_semaphore, #tpu.memory_space<semaphore_mem>>
        %dma_start3A_26 = arith.constant 0 : i32
        %dma_start3A_27 = arith.constant 0 : i32
        %dma_start3A_28 = tpu.memref_slice %arg10[%dma_start3A_26, %dma_start3A_27] : memref<10112x128xf32, #tpu.memory_space<vmem_shared>> -> memref<10112x128xf32, #tpu.memory_space<vmem_shared>>
        tpu.enqueue_indirect_dma source(%arg9 : memref<128x128xf32, #tpu.memory_space<vmem>>) target(%dma_start3A_28 : memref<10112x128xf32, #tpu.memory_space<vmem_shared>>) offsets(%arg8 : memref<128xi32, #tpu.memory_space<vmem>>) semaphore(%run_scoped3A : memref<!tpu.dma_semaphore, #tpu.memory_space<semaphore_mem>>) {add = true}
        %dma_wait3A_29 = arith.constant 0 : i32
        %dma_wait3A_30 = arith.constant 0 : i32
        %dma_wait3A_31 = tpu.memref_slice %arg10[%dma_wait3A_29, %dma_wait3A_30] : memref<10112x128xf32, #tpu.memory_space<vmem_shared>> -> memref<10112x128xf32, #tpu.memory_space<vmem_shared>>
        tpu.wait_indirect_dma semaphore(%run_scoped3A : memref<!tpu.dma_semaphore, #tpu.memory_space<semaphore_mem>>) src(%arg9 : memref<128x128xf32, #tpu.memory_space<vmem>>) dst(%dma_wait3A_31 : memref<10112x128xf32, #tpu.memory_space<vmem_shared>>)
        tpu.yield
      }) : () -> ()
    }
    %while3A_15 = arith.constant 1 : i32
    scf.for %while3A_21 = %while3A_13 to %while3A_9 step %while3A_15  : i32 {
      "tpu.region"() ({
        %run_scoped3A = tpu.sem_alloc : memref<!tpu.dma_semaphore, #tpu.memory_space<semaphore_mem>>
        %dma_start3A_26 = arith.constant 0 : i32
        %dma_start3A_27 = tpu.memref_slice %arg2[%add3A, %while3A_21, %dma_start3A_26] : memref<32x93x128xi32, #tpu.memory_space<hbm>> -> memref<1x1x128xi32, #tpu.memory_space<hbm>>
        %dma_start3A_28 = tpu.memref_squeeze %dma_start3A_27 : memref<1x1x128xi32, #tpu.memory_space<hbm>> -> memref<128xi32, #tpu.memory_space<hbm>>
        %dma_start3A_29 = arith.constant 0 : i32
        %dma_start3A_30 = tpu.memref_slice %arg2[%add3A, %while3A_21, %dma_start3A_29] : memref<32x93x128xi32, #tpu.memory_space<hbm>> -> memref<1x1x128xi32, #tpu.memory_space<hbm>>
        %dma_start3A_31 = tpu.memref_squeeze %dma_start3A_30 : memref<1x1x128xi32, #tpu.memory_space<hbm>> -> memref<128xi32, #tpu.memory_space<hbm>>
        tpu.enqueue_dma source(%dma_start3A_31 : memref<128xi32, #tpu.memory_space<hbm>>) target(%arg7 : memref<128xi32, #tpu.memory_space<vmem>>) target_semaphore(%run_scoped3A : memref<!tpu.dma_semaphore, #tpu.memory_space<semaphore_mem>>)
        %dma_wait3A_32 = arith.constant 0 : i32
        %dma_wait3A_33 = tpu.memref_slice %arg2[%add3A, %while3A_21, %dma_wait3A_32] : memref<32x93x128xi32, #tpu.memory_space<hbm>> -> memref<1x1x128xi32, #tpu.memory_space<hbm>>
        %dma_wait3A_34 = tpu.memref_squeeze %dma_wait3A_33 : memref<1x1x128xi32, #tpu.memory_space<hbm>> -> memref<128xi32, #tpu.memory_space<hbm>>
        %dma_wait3A_35 = arith.constant 0 : i32
        %dma_wait3A_36 = tpu.memref_slice %arg2[%add3A, %while3A_21, %dma_wait3A_35] : memref<32x93x128xi32, #tpu.memory_space<hbm>> -> memref<1x1x128xi32, #tpu.memory_space<hbm>>
        %dma_wait3A_37 = tpu.memref_squeeze %dma_wait3A_36 : memref<1x1x128xi32, #tpu.memory_space<hbm>> -> memref<128xi32, #tpu.memory_space<hbm>>
        tpu.wait_dma2 semaphore(%run_scoped3A : memref<!tpu.dma_semaphore, #tpu.memory_space<semaphore_mem>>) src(%dma_wait3A_37 : memref<128xi32, #tpu.memory_space<hbm>>) dst(%arg7 : memref<128xi32, #tpu.memory_space<vmem>>)
        tpu.yield
      }) : () -> ()
      "tpu.region"() ({
        %run_scoped3A = tpu.sem_alloc : memref<!tpu.dma_semaphore, #tpu.memory_space<semaphore_mem>>
        %dma_start3A_26 = arith.constant 0 : i32
        %dma_start3A_27 = tpu.memref_slice %arg3[%add3A, %while3A_21, %dma_start3A_26] : memref<32x93x128xi32, #tpu.memory_space<hbm>> -> memref<1x1x128xi32, #tpu.memory_space<hbm>>
        %dma_start3A_28 = tpu.memref_squeeze %dma_start3A_27 : memref<1x1x128xi32, #tpu.memory_space<hbm>> -> memref<128xi32, #tpu.memory_space<hbm>>
        %dma_start3A_29 = arith.constant 0 : i32
        %dma_start3A_30 = tpu.memref_slice %arg3[%add3A, %while3A_21, %dma_start3A_29] : memref<32x93x128xi32, #tpu.memory_space<hbm>> -> memref<1x1x128xi32, #tpu.memory_space<hbm>>
        %dma_start3A_31 = tpu.memref_squeeze %dma_start3A_30 : memref<1x1x128xi32, #tpu.memory_space<hbm>> -> memref<128xi32, #tpu.memory_space<hbm>>
        tpu.enqueue_dma source(%dma_start3A_31 : memref<128xi32, #tpu.memory_space<hbm>>) target(%arg8 : memref<128xi32, #tpu.memory_space<vmem>>) target_semaphore(%run_scoped3A : memref<!tpu.dma_semaphore, #tpu.memory_space<semaphore_mem>>)
        %dma_wait3A_32 = arith.constant 0 : i32
        %dma_wait3A_33 = tpu.memref_slice %arg3[%add3A, %while3A_21, %dma_wait3A_32] : memref<32x93x128xi32, #tpu.memory_space<hbm>> -> memref<1x1x128xi32, #tpu.memory_space<hbm>>
        %dma_wait3A_34 = tpu.memref_squeeze %dma_wait3A_33 : memref<1x1x128xi32, #tpu.memory_space<hbm>> -> memref<128xi32, #tpu.memory_space<hbm>>
        %dma_wait3A_35 = arith.constant 0 : i32
        %dma_wait3A_36 = tpu.memref_slice %arg3[%add3A, %while3A_21, %dma_wait3A_35] : memref<32x93x128xi32, #tpu.memory_space<hbm>> -> memref<1x1x128xi32, #tpu.memory_space<hbm>>
        %dma_wait3A_37 = tpu.memref_squeeze %dma_wait3A_36 : memref<1x1x128xi32, #tpu.memory_space<hbm>> -> memref<128xi32, #tpu.memory_space<hbm>>
        tpu.wait_dma2 semaphore(%run_scoped3A : memref<!tpu.dma_semaphore, #tpu.memory_space<semaphore_mem>>) src(%dma_wait3A_37 : memref<128xi32, #tpu.memory_space<hbm>>) dst(%arg8 : memref<128xi32, #tpu.memory_space<vmem>>)
        tpu.yield
      }) : () -> ()
      %dma_start3A = arith.constant 0 : i32
      %dma_start3A_22 = arith.constant 0 : i32
      %dma_start3A_23 = tpu.memref_slice %arg4[%dma_start3A, %dma_start3A_22] : memref<10112x128xf32, #tpu.memory_space<hbm>> -> memref<10112x128xf32, #tpu.memory_space<hbm>>
      tpu.enqueue_indirect_dma source(%dma_start3A_23 : memref<10112x128xf32, #tpu.memory_space<hbm>>) target(%arg9 : memref<128x128xf32, #tpu.memory_space<vmem>>) offsets(%arg7 : memref<128xi32, #tpu.memory_space<vmem>>) semaphore(%arg11 : memref<!tpu.dma_semaphore, #tpu.memory_space<semaphore_mem>>)
      %dma_wait3A = arith.constant 0 : i32
      %dma_wait3A_24 = arith.constant 0 : i32
      %dma_wait3A_25 = tpu.memref_slice %arg4[%dma_wait3A, %dma_wait3A_24] : memref<10112x128xf32, #tpu.memory_space<hbm>> -> memref<10112x128xf32, #tpu.memory_space<hbm>>
      tpu.wait_indirect_dma semaphore(%arg11 : memref<!tpu.dma_semaphore, #tpu.memory_space<semaphore_mem>>) src(%dma_wait3A_25 : memref<10112x128xf32, #tpu.memory_space<hbm>>) dst(%arg9 : memref<128x128xf32, #tpu.memory_space<vmem>>)
      "tpu.region"() ({
        %run_scoped3A = tpu.sem_alloc : memref<!tpu.dma_semaphore, #tpu.memory_space<semaphore_mem>>
        %dma_start3A_26 = arith.constant 0 : i32
        %dma_start3A_27 = arith.constant 0 : i32
        %dma_start3A_28 = tpu.memref_slice %arg10[%dma_start3A_26, %dma_start3A_27] : memref<10112x128xf32, #tpu.memory_space<vmem_shared>> -> memref<10112x128xf32, #tpu.memory_space<vmem_shared>>
        tpu.enqueue_indirect_dma source(%arg9 : memref<128x128xf32, #tpu.memory_space<vmem>>) target(%dma_start3A_28 : memref<10112x128xf32, #tpu.memory_space<vmem_shared>>) offsets(%arg8 : memref<128xi32, #tpu.memory_space<vmem>>) semaphore(%run_scoped3A : memref<!tpu.dma_semaphore, #tpu.memory_space<semaphore_mem>>) {add = true}
        %dma_wait3A_29 = arith.constant 0 : i32
        %dma_wait3A_30 = arith.constant 0 : i32
        %dma_wait3A_31 = tpu.memref_slice %arg10[%dma_wait3A_29, %dma_wait3A_30] : memref<10112x128xf32, #tpu.memory_space<vmem_shared>> -> memref<10112x128xf32, #tpu.memory_space<vmem_shared>>
        tpu.wait_indirect_dma semaphore(%run_scoped3A : memref<!tpu.dma_semaphore, #tpu.memory_space<semaphore_mem>>) src(%arg9 : memref<128x128xf32, #tpu.memory_space<vmem>>) dst(%dma_wait3A_31 : memref<10112x128xf32, #tpu.memory_space<vmem_shared>>)
        tpu.yield
      }) : () -> ()
    }
    %barrier3A_16 = arith.constant 0 : index
    tpu.barrier barrier_id(%barrier3A_16)
    %mul3A_17 = arith.constant 632 : i32
    %mul3A_18 = arith.muli %arg1, %mul3A_17 : i32
    %mul3A_19 = arith.constant 632 : i32
    %mul3A_20 = arith.muli %arg1, %mul3A_19 : i32
    "tpu.region"() ({
      %run_scoped3A = tpu.sem_alloc : memref<!tpu.dma_semaphore, #tpu.memory_space<semaphore_mem>>
      %dma_start3A = arith.constant 0 : i32
      %dma_start3A_21 = tpu.memref_slice %arg6[%arg0, %mul3A_20, %dma_start3A] : memref<2x10112x128xf32, #tpu.memory_space<hbm>> -> memref<1x632x128xf32, #tpu.memory_space<hbm>>
      %dma_start3A_22 = tpu.memref_squeeze %dma_start3A_21 : memref<1x632x128xf32, #tpu.memory_space<hbm>> -> memref<632x128xf32, #tpu.memory_space<hbm>>
      %dma_start3A_23 = arith.constant 0 : i32
      %dma_start3A_24 = tpu.memref_slice %arg10[%mul3A_18, %dma_start3A_23] : memref<10112x128xf32, #tpu.memory_space<vmem_shared>> -> memref<632x128xf32, #tpu.memory_space<vmem_shared>>
      tpu.enqueue_dma source(%dma_start3A_24 : memref<632x128xf32, #tpu.memory_space<vmem_shared>>) target(%dma_start3A_22 : memref<632x128xf32, #tpu.memory_space<hbm>>) target_semaphore(%run_scoped3A : memref<!tpu.dma_semaphore, #tpu.memory_space<semaphore_mem>>)
      %dma_wait3A = arith.constant 0 : i32
      %dma_wait3A_25 = tpu.memref_slice %arg6[%arg0, %mul3A_20, %dma_wait3A] : memref<2x10112x128xf32, #tpu.memory_space<hbm>> -> memref<1x632x128xf32, #tpu.memory_space<hbm>>
      %dma_wait3A_26 = tpu.memref_squeeze %dma_wait3A_25 : memref<1x632x128xf32, #tpu.memory_space<hbm>> -> memref<632x128xf32, #tpu.memory_space<hbm>>
      %dma_wait3A_27 = arith.constant 0 : i32
      %dma_wait3A_28 = tpu.memref_slice %arg10[%mul3A_18, %dma_wait3A_27] : memref<10112x128xf32, #tpu.memory_space<vmem_shared>> -> memref<632x128xf32, #tpu.memory_space<vmem_shared>>
      tpu.wait_dma2 semaphore(%run_scoped3A : memref<!tpu.dma_semaphore, #tpu.memory_space<semaphore_mem>>) src(%dma_wait3A_28 : memref<632x128xf32, #tpu.memory_space<vmem_shared>>) dst(%dma_wait3A_26 : memref<632x128xf32, #tpu.memory_space<hbm>>)
      tpu.yield
    }) : () -> ()
    return
  }
}

module attributes {stable_mosaic.version = 14 : i64} {
  func.func @_prep_body(%arg0: memref<20x16384xi32, #tpu.memory_space<vmem>>, %arg1: memref<10112x128xf32, #tpu.memory_space<vmem>>, %arg2: memref<10112x128xf32, #tpu.memory_space<vmem>>, %arg3: memref<10112x128xf32, #tpu.memory_space<vmem>>) attributes {dimension_semantics = [], scalar_prefetch = 0 : i64, scratch_operands = 0 : i64, tpu.core_type = #tpu.core_type<tc>} {
    %broadcast_in_dim3A = arith.constant 0.000000e+00 : f32
    %broadcast_in_dim3A_0 = vector.broadcast %broadcast_in_dim3A : f32 to vector<80x128xf32>
    %scan3A = arith.constant 0 : i32
    %scan3A_1 = arith.constant 20 : i32
    %scan3A_2 = arith.addi %scan3A, %scan3A_1 : i32
    %scan3A_3 = arith.constant 1 : i32
    %scan3A_4 = scf.for %scan3A_91 = %scan3A to %scan3A_2 step %scan3A_3 iter_args(%scan3A_92 = %broadcast_in_dim3A_0) -> (vector<80x128xf32>)  : i32 {
      %get3A_93 = arith.index_cast %scan3A_91 : i32 to index
      %get3A_94 = arith.constant 0 : index
      %get3A_95 = vector.load %arg0[%get3A_93, %get3A_94] : memref<20x16384xi32, #tpu.memory_space<vmem>>, vector<1x16384xi32>
      %get3A_96 = vector.shape_cast %get3A_95 : vector<1x16384xi32> to vector<16384xi32>
      %jit3A_97 = arith.constant 128 : i32
      %div3A_98 = vector.broadcast %jit3A_97 : i32 to vector<16384xi32>
      %div3A_99 = arith.divsi %get3A_96, %div3A_98 : vector<16384xi32>
      %sign3A_100 = arith.constant 0 : i32
      %sign3A_101 = vector.broadcast %sign3A_100 : i32 to vector<16384xi32>
      %sign3A_102 = arith.cmpi sgt, %get3A_96, %sign3A_101 : vector<16384xi32>
      %sign3A_103 = arith.extui %sign3A_102 : vector<16384xi1> to vector<16384xi32>
      %sign3A_104 = arith.constant 0 : i32
      %sign3A_105 = vector.broadcast %sign3A_104 : i32 to vector<16384xi32>
      %sign3A_106 = arith.cmpi slt, %get3A_96, %sign3A_105 : vector<16384xi32>
      %sign3A_107 = arith.extui %sign3A_106 : vector<16384xi1> to vector<16384xi32>
      %sign3A_108 = arith.subi %sign3A_103, %sign3A_107 : vector<16384xi32>
      %sign3A_109 = arith.constant 0 : i32
      %sign3A_110 = arith.cmpi sgt, %jit3A_97, %sign3A_109 : i32
      %sign3A_111 = arith.extui %sign3A_110 : i1 to i32
      %sign3A_112 = arith.constant 0 : i32
      %sign3A_113 = arith.cmpi slt, %jit3A_97, %sign3A_112 : i32
      %sign3A_114 = arith.extui %sign3A_113 : i1 to i32
      %sign3A_115 = arith.subi %sign3A_111, %sign3A_114 : i32
      %ne3A_116 = vector.broadcast %sign3A_115 : i32 to vector<16384xi32>
      %ne3A_117 = arith.cmpi ne, %sign3A_108, %ne3A_116 : vector<16384xi32>
      %rem3A_118 = vector.broadcast %jit3A_97 : i32 to vector<16384xi32>
      %rem3A_119 = arith.remsi %get3A_96, %rem3A_118 : vector<16384xi32>
      %ne3A_120 = arith.constant 0 : i32
      %ne3A_121 = vector.broadcast %ne3A_120 : i32 to vector<16384xi32>
      %ne3A_122 = arith.cmpi ne, %rem3A_119, %ne3A_121 : vector<16384xi32>
      %and3A_123 = arith.andi %ne3A_117, %ne3A_122 : vector<16384xi1>
      %sub3A_124 = arith.constant 1 : i32
      %sub3A_125 = vector.broadcast %sub3A_124 : i32 to vector<16384xi32>
      %sub3A_126 = arith.subi %div3A_99, %sub3A_125 : vector<16384xi32>
      %select_n3A_127 = arith.select %and3A_123, %sub3A_126, %div3A_99 : vector<16384xi1>, vector<16384xi32>
      %mul3A_128 = arith.constant 128 : i32
      %mul3A_129 = vector.broadcast %mul3A_128 : i32 to vector<16384xi32>
      %mul3A_130 = arith.muli %select_n3A_127, %mul3A_129 : vector<16384xi32>
      %sub3A_131 = arith.subi %get3A_96, %mul3A_130 : vector<16384xi32>
      %broadcast_in_dim3A_132 = vector.shape_cast %select_n3A_127 : vector<16384xi32> to vector<16384x1xi32>
      %iota3A_133 = tpu.iota {dimensions = array<i32: 1>} : vector<16384x80xi32>
      %eq3A_134 = vector.broadcast %broadcast_in_dim3A_132 : vector<16384x1xi32> to vector<16384x80xi32>
      %eq3A_135 = arith.cmpi eq, %eq3A_134, %iota3A_133 : vector<16384x80xi32>
      %convert_element_type3A_136 = arith.extui %eq3A_135 : vector<16384x80xi1> to vector<16384x80xi32>
      %convert_element_type3A_137 = arith.sitofp %convert_element_type3A_136 : vector<16384x80xi32> to vector<16384x80xf32>
      %convert_element_type3A_138 = arith.truncf %convert_element_type3A_137 : vector<16384x80xf32> to vector<16384x80xbf16>
      %broadcast_in_dim3A_139 = vector.shape_cast %sub3A_131 : vector<16384xi32> to vector<16384x1xi32>
      %iota3A_140 = tpu.iota {dimensions = array<i32: 1>} : vector<16384x128xi32>
      %eq3A_141 = vector.broadcast %broadcast_in_dim3A_139 : vector<16384x1xi32> to vector<16384x128xi32>
      %eq3A_142 = arith.cmpi eq, %eq3A_141, %iota3A_140 : vector<16384x128xi32>
      %convert_element_type3A_143 = arith.extui %eq3A_142 : vector<16384x128xi1> to vector<16384x128xi32>
      %convert_element_type3A_144 = arith.sitofp %convert_element_type3A_143 : vector<16384x128xi32> to vector<16384x128xf32>
      %convert_element_type3A_145 = arith.truncf %convert_element_type3A_144 : vector<16384x128xf32> to vector<16384x128xbf16>
      %dot_general3A_146 = arith.constant dense<0.000000e+00> : vector<80x128xf32>
      %dot_general3A_147 = tpu.matmul %convert_element_type3A_138, %convert_element_type3A_145, %dot_general3A_146 {dimension_numbers = #tpu.dot_dimension_numbers<[0], [0], [1], [1], [0, 1, 1, 1], [], []>, transpose_lhs_hint = false} : vector<16384x80xbf16>, vector<16384x128xbf16>, vector<80x128xf32> -> vector<80x128xf32>
      %add3A = arith.addf %scan3A_92, %dot_general3A_147 : vector<80x128xf32>
      scf.yield %add3A : vector<80x128xf32>
    }
    %scan3A_5 = arith.constant 20 : i32
    %gt3A = arith.constant 0.000000e+00 : f32
    %gt3A_6 = vector.broadcast %gt3A : f32 to vector<80x128xf32>
    %gt3A_7 = arith.cmpf ogt, %scan3A_4, %gt3A_6 : vector<80x128xf32>
    %rsqrt3A = math.rsqrt %scan3A_4 : vector<80x128xf32>
    %jit3A = arith.constant 0.000000e+00 : f32
    %broadcast_in_dim3A_8 = vector.broadcast %jit3A : f32 to vector<80x128xf32>
    %select_n3A = arith.select %gt3A_7, %rsqrt3A, %broadcast_in_dim3A_8 : vector<80x128xi1>, vector<80x128xf32>
    %iota3A = tpu.iota {dimensions = array<i32: 0>} : vector<10112x80xi32>
    %jit3A_9 = arith.constant 128 : i32
    %div3A = vector.broadcast %jit3A_9 : i32 to vector<10112x80xi32>
    %div3A_10 = arith.divsi %iota3A, %div3A : vector<10112x80xi32>
    %sign3A = arith.constant 0 : i32
    %sign3A_11 = vector.broadcast %sign3A : i32 to vector<10112x80xi32>
    %sign3A_12 = arith.cmpi sgt, %iota3A, %sign3A_11 : vector<10112x80xi32>
    %sign3A_13 = arith.extui %sign3A_12 : vector<10112x80xi1> to vector<10112x80xi32>
    %sign3A_14 = arith.constant 0 : i32
    %sign3A_15 = vector.broadcast %sign3A_14 : i32 to vector<10112x80xi32>
    %sign3A_16 = arith.cmpi slt, %iota3A, %sign3A_15 : vector<10112x80xi32>
    %sign3A_17 = arith.extui %sign3A_16 : vector<10112x80xi1> to vector<10112x80xi32>
    %sign3A_18 = arith.subi %sign3A_13, %sign3A_17 : vector<10112x80xi32>
    %sign3A_19 = arith.constant 0 : i32
    %sign3A_20 = arith.cmpi sgt, %jit3A_9, %sign3A_19 : i32
    %sign3A_21 = arith.extui %sign3A_20 : i1 to i32
    %sign3A_22 = arith.constant 0 : i32
    %sign3A_23 = arith.cmpi slt, %jit3A_9, %sign3A_22 : i32
    %sign3A_24 = arith.extui %sign3A_23 : i1 to i32
    %sign3A_25 = arith.subi %sign3A_21, %sign3A_24 : i32
    %ne3A = vector.broadcast %sign3A_25 : i32 to vector<10112x80xi32>
    %ne3A_26 = arith.cmpi ne, %sign3A_18, %ne3A : vector<10112x80xi32>
    %rem3A = vector.broadcast %jit3A_9 : i32 to vector<10112x80xi32>
    %rem3A_27 = arith.remsi %iota3A, %rem3A : vector<10112x80xi32>
    %ne3A_28 = arith.constant 0 : i32
    %ne3A_29 = vector.broadcast %ne3A_28 : i32 to vector<10112x80xi32>
    %ne3A_30 = arith.cmpi ne, %rem3A_27, %ne3A_29 : vector<10112x80xi32>
    %and3A = arith.andi %ne3A_26, %ne3A_30 : vector<10112x80xi1>
    %sub3A = arith.constant 1 : i32
    %sub3A_31 = vector.broadcast %sub3A : i32 to vector<10112x80xi32>
    %sub3A_32 = arith.subi %div3A_10, %sub3A_31 : vector<10112x80xi32>
    %select_n3A_33 = arith.select %and3A, %sub3A_32, %div3A_10 : vector<10112x80xi1>, vector<10112x80xi32>
    %iota3A_34 = tpu.iota {dimensions = array<i32: 1>} : vector<10112x80xi32>
    %eq3A = arith.cmpi eq, %select_n3A_33, %iota3A_34 : vector<10112x80xi32>
    %convert_element_type3A = arith.extui %eq3A : vector<10112x80xi1> to vector<10112x80xi32>
    %convert_element_type3A_35 = arith.sitofp %convert_element_type3A : vector<10112x80xi32> to vector<10112x80xf32>
    %dot_general3A = arith.constant dense<0.000000e+00> : vector<10112x128xf32>
    %dot_general3A_36 = tpu.matmul %convert_element_type3A_35, %select_n3A, %dot_general3A {dimension_numbers = #tpu.dot_dimension_numbers<[1], [0], [0], [1], [0, 0, 1, 1], [], []>, transpose_lhs_hint = false} : vector<10112x80xf32>, vector<80x128xf32>, vector<10112x128xf32> -> vector<10112x128xf32>
    %iota3A_37 = tpu.iota {dimensions = array<i32: 0>} : vector<10112x128xi32>
    %iota3A_38 = tpu.iota {dimensions = array<i32: 0>} : vector<10112x128xi32>
    %jit3A_39 = arith.constant 128 : i32
    %div3A_40 = vector.broadcast %jit3A_39 : i32 to vector<10112x128xi32>
    %div3A_41 = arith.divsi %iota3A_38, %div3A_40 : vector<10112x128xi32>
    %sign3A_42 = arith.constant 0 : i32
    %sign3A_43 = vector.broadcast %sign3A_42 : i32 to vector<10112x128xi32>
    %sign3A_44 = arith.cmpi sgt, %iota3A_38, %sign3A_43 : vector<10112x128xi32>
    %sign3A_45 = arith.extui %sign3A_44 : vector<10112x128xi1> to vector<10112x128xi32>
    %sign3A_46 = arith.constant 0 : i32
    %sign3A_47 = vector.broadcast %sign3A_46 : i32 to vector<10112x128xi32>
    %sign3A_48 = arith.cmpi slt, %iota3A_38, %sign3A_47 : vector<10112x128xi32>
    %sign3A_49 = arith.extui %sign3A_48 : vector<10112x128xi1> to vector<10112x128xi32>
    %sign3A_50 = arith.subi %sign3A_45, %sign3A_49 : vector<10112x128xi32>
    %sign3A_51 = arith.constant 0 : i32
    %sign3A_52 = arith.cmpi sgt, %jit3A_39, %sign3A_51 : i32
    %sign3A_53 = arith.extui %sign3A_52 : i1 to i32
    %sign3A_54 = arith.constant 0 : i32
    %sign3A_55 = arith.cmpi slt, %jit3A_39, %sign3A_54 : i32
    %sign3A_56 = arith.extui %sign3A_55 : i1 to i32
    %sign3A_57 = arith.subi %sign3A_53, %sign3A_56 : i32
    %ne3A_58 = vector.broadcast %sign3A_57 : i32 to vector<10112x128xi32>
    %ne3A_59 = arith.cmpi ne, %sign3A_50, %ne3A_58 : vector<10112x128xi32>
    %rem3A_60 = vector.broadcast %jit3A_39 : i32 to vector<10112x128xi32>
    %rem3A_61 = arith.remsi %iota3A_38, %rem3A_60 : vector<10112x128xi32>
    %ne3A_62 = arith.constant 0 : i32
    %ne3A_63 = vector.broadcast %ne3A_62 : i32 to vector<10112x128xi32>
    %ne3A_64 = arith.cmpi ne, %rem3A_61, %ne3A_63 : vector<10112x128xi32>
    %and3A_65 = arith.andi %ne3A_59, %ne3A_64 : vector<10112x128xi1>
    %sub3A_66 = arith.constant 1 : i32
    %sub3A_67 = vector.broadcast %sub3A_66 : i32 to vector<10112x128xi32>
    %sub3A_68 = arith.subi %div3A_41, %sub3A_67 : vector<10112x128xi32>
    %select_n3A_69 = arith.select %and3A_65, %sub3A_68, %div3A_41 : vector<10112x128xi1>, vector<10112x128xi32>
    %mul3A = arith.constant 128 : i32
    %mul3A_70 = vector.broadcast %mul3A : i32 to vector<10112x128xi32>
    %mul3A_71 = arith.muli %mul3A_70, %select_n3A_69 : vector<10112x128xi32>
    %sub3A_72 = arith.subi %iota3A_37, %mul3A_71 : vector<10112x128xi32>
    %iota3A_73 = tpu.iota {dimensions = array<i32: 1>} : vector<10112x128xi32>
    %eq3A_74 = arith.cmpi eq, %sub3A_72, %iota3A_73 : vector<10112x128xi32>
    %convert_element_type3A_75 = arith.extui %eq3A_74 : vector<10112x128xi1> to vector<10112x128xi32>
    %convert_element_type3A_76 = arith.sitofp %convert_element_type3A_75 : vector<10112x128xi32> to vector<10112x128xf32>
    %mul3A_77 = arith.mulf %dot_general3A_36, %convert_element_type3A_76 : vector<10112x128xf32>
    %reduce_sum3A = arith.constant dense<0.000000e+00> : vector<10112xf32>
    %reduce_sum3A_78 = vector.multi_reduction <add>, %mul3A_77, %reduce_sum3A [1] : vector<10112x128xf32> to vector<10112xf32>
    %broadcast_in_dim3A_79 = vector.shape_cast %reduce_sum3A_78 : vector<10112xf32> to vector<10112x1xf32>
    %get3A = arith.constant 0 : index
    %get3A_80 = arith.constant 0 : index
    %get3A_81 = vector.load %arg1[%get3A, %get3A_80] : memref<10112x128xf32, #tpu.memory_space<vmem>>, vector<10112x128xf32>
    %mul3A_82 = vector.broadcast %broadcast_in_dim3A_79 : vector<10112x1xf32> to vector<10112x128xf32>
    %mul3A_83 = arith.mulf %get3A_81, %mul3A_82 : vector<10112x128xf32>
    %swap3A = arith.constant 0 : index
    %swap3A_84 = arith.constant 0 : index
    %swap3A_85 = vector.load %arg2[%swap3A, %swap3A_84] : memref<10112x128xf32, #tpu.memory_space<vmem>>, vector<10112x128xf32>
    tpu.vector_store %arg2[%swap3A, %swap3A_84], %mul3A_83 {strides = array<i32>} : memref<10112x128xf32, #tpu.memory_space<vmem>>, vector<10112x128xf32>,
    %broadcast_in_dim3A_86 = vector.shape_cast %broadcast_in_dim3A_79 : vector<10112x1xf32> to vector<10112x1xf32>
    %broadcast_in_dim3A_87 = vector.broadcast %broadcast_in_dim3A_86 : vector<10112x1xf32> to vector<10112x128xf32>
    %swap3A_88 = arith.constant 0 : index
    %swap3A_89 = arith.constant 0 : index
    %swap3A_90 = vector.load %arg3[%swap3A_88, %swap3A_89] : memref<10112x128xf32, #tpu.memory_space<vmem>>, vector<10112x128xf32>
    tpu.vector_store %arg3[%swap3A_88, %swap3A_89], %broadcast_in_dim3A_87 {strides = array<i32>} : memref<10112x128xf32, #tpu.memory_space<vmem>>, vector<10112x128xf32>,
    return
  }
}

module attributes {stable_mosaic.version = 14 : i64} {
  func.func @_dense_body(%arg0: memref<10000x128xf32, #tpu.memory_space<vmem>>, %arg1: memref<2x10112x128xf32, #tpu.memory_space<vmem>>, %arg2: memref<10112x128xf32, #tpu.memory_space<vmem>>, %arg3: memref<128x128xf32, #tpu.memory_space<vmem>>, %arg4: memref<1x128xf32, #tpu.memory_space<vmem>>, %arg5: memref<1x128xf32, #tpu.memory_space<vmem>>, %arg6: memref<1x128xf32, #tpu.memory_space<vmem>>, %arg7: memref<128x128xf32, #tpu.memory_space<vmem>>, %arg8: memref<1x128xf32, #tpu.memory_space<vmem>>, %arg9: memref<128x128xf32, #tpu.memory_space<vmem>>, %arg10: memref<1x128xf32, #tpu.memory_space<vmem>>, %arg11: memref<1x128xf32, #tpu.memory_space<vmem>>, %arg12: memref<1x128xf32, #tpu.memory_space<vmem>>, %arg13: memref<128x128xf32, #tpu.memory_space<vmem>>, %arg14: memref<1x128xf32, #tpu.memory_space<vmem>>, %arg15: memref<256x128xf32, #tpu.memory_space<vmem>>, %arg16: memref<1x128xf32, #tpu.memory_space<vmem>>, %arg17: memref<1x128xf32, #tpu.memory_space<vmem>>, %arg18: memref<1x128xf32, #tpu.memory_space<vmem>>, %arg19: memref<128x128xf32, #tpu.memory_space<vmem>>, %arg20: memref<1x128xf32, #tpu.memory_space<vmem>>, %arg21: memref<10000x128xf32, #tpu.memory_space<vmem>>) attributes {dimension_semantics = [], scalar_prefetch = 0 : i64, scratch_operands = 0 : i64, tpu.core_type = #tpu.core_type<tc>} {
    %get3A = arith.constant 0 : index
    %get3A_0 = arith.constant 0 : index
    %get3A_1 = vector.load %arg0[%get3A, %get3A_0] : memref<10000x128xf32, #tpu.memory_space<vmem>>, vector<10000x128xf32>
    %get3A_2 = arith.constant 0 : index
    %get3A_3 = arith.constant 0 : index
    %get3A_4 = arith.constant 0 : index
    %get3A_5 = vector.load %arg1[%get3A_2, %get3A_3, %get3A_4] : memref<2x10112x128xf32, #tpu.memory_space<vmem>>, vector<1x10000x128xf32>
    %get3A_6 = vector.shape_cast %get3A_5 : vector<1x10000x128xf32> to vector<10000x128xf32>
    %get3A_7 = arith.constant 1 : index
    %get3A_8 = arith.constant 0 : index
    %get3A_9 = arith.constant 0 : index
    %get3A_10 = vector.load %arg1[%get3A_7, %get3A_8, %get3A_9] : memref<2x10112x128xf32, #tpu.memory_space<vmem>>, vector<1x10000x128xf32>
    %get3A_11 = vector.shape_cast %get3A_10 : vector<1x10000x128xf32> to vector<10000x128xf32>
    %add3A = arith.addf %get3A_6, %get3A_11 : vector<10000x128xf32>
    %get3A_12 = arith.constant 0 : index
    %get3A_13 = arith.constant 0 : index
    %get3A_14 = vector.load %arg2[%get3A_12, %get3A_13] : memref<10112x128xf32, #tpu.memory_space<vmem>>, vector<10000x128xf32>
    %mul3A = arith.mulf %add3A, %get3A_14 : vector<10000x128xf32>
    %get3A_15 = arith.constant 0 : index
    %get3A_16 = arith.constant 0 : index
    %get3A_17 = vector.load %arg3[%get3A_15, %get3A_16] : memref<128x128xf32, #tpu.memory_space<vmem>>, vector<128x128xf32>
    %get3A_18 = arith.constant 0 : index
    %get3A_19 = arith.constant 0 : index
    %get3A_20 = vector.load %arg4[%get3A_18, %get3A_19] : memref<1x128xf32, #tpu.memory_space<vmem>>, vector<1x128xf32>
    %get3A_21 = arith.constant 0 : index
    %get3A_22 = arith.constant 0 : index
    %get3A_23 = vector.load %arg5[%get3A_21, %get3A_22] : memref<1x128xf32, #tpu.memory_space<vmem>>, vector<1x128xf32>
    %get3A_24 = arith.constant 0 : index
    %get3A_25 = arith.constant 0 : index
    %get3A_26 = vector.load %arg6[%get3A_24, %get3A_25] : memref<1x128xf32, #tpu.memory_space<vmem>>, vector<1x128xf32>
    %get3A_27 = arith.constant 0 : index
    %get3A_28 = arith.constant 0 : index
    %get3A_29 = vector.load %arg7[%get3A_27, %get3A_28] : memref<128x128xf32, #tpu.memory_space<vmem>>, vector<128x128xf32>
    %get3A_30 = arith.constant 0 : index
    %get3A_31 = arith.constant 0 : index
    %get3A_32 = vector.load %arg8[%get3A_30, %get3A_31] : memref<1x128xf32, #tpu.memory_space<vmem>>, vector<1x128xf32>
    %dot_general3A = arith.constant dense<0.000000e+00> : vector<10000x128xf32>
    %dot_general3A_33 = tpu.matmul %get3A_1, %get3A_17, %dot_general3A {dimension_numbers = #tpu.dot_dimension_numbers<[1], [0], [0], [1], [0, 0, 1, 1], [], []>, transpose_lhs_hint = false} : vector<10000x128xf32>, vector<128x128xf32>, vector<10000x128xf32> -> vector<10000x128xf32>
    %add3A_34 = vector.broadcast %get3A_20 : vector<1x128xf32> to vector<10000x128xf32>
    %add3A_35 = arith.addf %dot_general3A_33, %add3A_34 : vector<10000x128xf32>
    %reduce_sum3A = arith.constant dense<0.000000e+00> : vector<128xf32>
    %reduce_sum3A_36 = vector.multi_reduction <add>, %add3A_35, %reduce_sum3A [0] : vector<10000x128xf32> to vector<128xf32>
    %div3A = arith.constant 1.000000e+04 : f32
    %div3A_37 = vector.broadcast %div3A : f32 to vector<128xf32>
    %div3A_38 = arith.divf %reduce_sum3A_36, %div3A_37 : vector<128xf32>
    %jit3A = arith.constant 0 : i32
    %reduce_sum3A_39 = arith.constant dense<0.000000e+00> : vector<128xf32>
    %reduce_sum3A_40 = vector.multi_reduction <add>, %add3A_35, %reduce_sum3A_39 [0] : vector<10000x128xf32> to vector<128xf32>
    %broadcast_in_dim3A = vector.shape_cast %reduce_sum3A_40 : vector<128xf32> to vector<1x128xf32>
    %div3A_41 = arith.constant 1.000000e+04 : f32
    %div3A_42 = vector.broadcast %div3A_41 : f32 to vector<1x128xf32>
    %div3A_43 = arith.divf %broadcast_in_dim3A, %div3A_42 : vector<1x128xf32>
    %sub3A = vector.broadcast %div3A_43 : vector<1x128xf32> to vector<10000x128xf32>
    %sub3A_44 = arith.subf %add3A_35, %sub3A : vector<10000x128xf32>
    %square3A = arith.mulf %sub3A_44, %sub3A_44 : vector<10000x128xf32>
    %convert_element_type3A = arith.sitofp %jit3A : i32 to f32
    %sub3A_45 = arith.constant 1.000000e+04 : f32
    %sub3A_46 = arith.subf %sub3A_45, %convert_element_type3A : f32
    %reduce_sum3A_47 = arith.constant dense<0.000000e+00> : vector<128xf32>
    %reduce_sum3A_48 = vector.multi_reduction <add>, %square3A, %reduce_sum3A_47 [0] : vector<10000x128xf32> to vector<128xf32>
    %div3A_49 = vector.broadcast %sub3A_46 : f32 to vector<128xf32>
    %div3A_50 = arith.divf %reduce_sum3A_48, %div3A_49 : vector<128xf32>
    %gt3A = arith.constant 0.000000e+00 : f32
    %gt3A_51 = arith.cmpf ogt, %sub3A_46, %gt3A : f32
    %jit3A_52 = arith.constant 0x7FC00000 : f32
    %broadcast_in_dim3A_53 = vector.broadcast %jit3A_52 : f32 to vector<128xf32>
    %select_n3A = arith.select %gt3A_51, %div3A_50, %broadcast_in_dim3A_53 : vector<128xf32>
    %broadcast_in_dim3A_54 = vector.shape_cast %div3A_38 : vector<128xf32> to vector<1x128xf32>
    %sub3A_55 = vector.broadcast %broadcast_in_dim3A_54 : vector<1x128xf32> to vector<10000x128xf32>
    %sub3A_56 = arith.subf %add3A_35, %sub3A_55 : vector<10000x128xf32>
    %add3A_57 = arith.constant 9.99999974E-6 : f32
    %add3A_58 = vector.broadcast %add3A_57 : f32 to vector<128xf32>
    %add3A_59 = arith.addf %select_n3A, %add3A_58 : vector<128xf32>
    %sqrt3A = math.sqrt %add3A_59 : vector<128xf32>
    %broadcast_in_dim3A_60 = vector.shape_cast %sqrt3A : vector<128xf32> to vector<1x128xf32>
    %div3A_61 = vector.broadcast %broadcast_in_dim3A_60 : vector<1x128xf32> to vector<10000x128xf32>
    %div3A_62 = arith.divf %sub3A_56, %div3A_61 : vector<10000x128xf32>
    %mul3A_63 = vector.broadcast %get3A_23 : vector<1x128xf32> to vector<10000x128xf32>
    %mul3A_64 = arith.mulf %div3A_62, %mul3A_63 : vector<10000x128xf32>
    %add3A_65 = vector.broadcast %get3A_26 : vector<1x128xf32> to vector<10000x128xf32>
    %add3A_66 = arith.addf %mul3A_64, %add3A_65 : vector<10000x128xf32>
    %max3A = arith.constant 0.000000e+00 : f32
    %max3A_67 = vector.broadcast %max3A : f32 to vector<10000x128xf32>
    %max3A_68 = arith.maximumf %add3A_66, %max3A_67 : vector<10000x128xf32>
    %dot_general3A_69 = arith.constant dense<0.000000e+00> : vector<10000x128xf32>
    %dot_general3A_70 = tpu.matmul %max3A_68, %get3A_29, %dot_general3A_69 {dimension_numbers = #tpu.dot_dimension_numbers<[1], [0], [0], [1], [0, 0, 1, 1], [], []>, transpose_lhs_hint = false} : vector<10000x128xf32>, vector<128x128xf32>, vector<10000x128xf32> -> vector<10000x128xf32>
    %add3A_71 = vector.broadcast %get3A_32 : vector<1x128xf32> to vector<10000x128xf32>
    %add3A_72 = arith.addf %dot_general3A_70, %add3A_71 : vector<10000x128xf32>
    %get3A_73 = arith.constant 0 : index
    %get3A_74 = arith.constant 0 : index
    %get3A_75 = vector.load %arg9[%get3A_73, %get3A_74] : memref<128x128xf32, #tpu.memory_space<vmem>>, vector<128x128xf32>
    %get3A_76 = arith.constant 0 : index
    %get3A_77 = arith.constant 0 : index
    %get3A_78 = vector.load %arg10[%get3A_76, %get3A_77] : memref<1x128xf32, #tpu.memory_space<vmem>>, vector<1x128xf32>
    %get3A_79 = arith.constant 0 : index
    %get3A_80 = arith.constant 0 : index
    %get3A_81 = vector.load %arg11[%get3A_79, %get3A_80] : memref<1x128xf32, #tpu.memory_space<vmem>>, vector<1x128xf32>
    %get3A_82 = arith.constant 0 : index
    %get3A_83 = arith.constant 0 : index
    %get3A_84 = vector.load %arg12[%get3A_82, %get3A_83] : memref<1x128xf32, #tpu.memory_space<vmem>>, vector<1x128xf32>
    %get3A_85 = arith.constant 0 : index
    %get3A_86 = arith.constant 0 : index
    %get3A_87 = vector.load %arg13[%get3A_85, %get3A_86] : memref<128x128xf32, #tpu.memory_space<vmem>>, vector<128x128xf32>
    %get3A_88 = arith.constant 0 : index
    %get3A_89 = arith.constant 0 : index
    %get3A_90 = vector.load %arg14[%get3A_88, %get3A_89] : memref<1x128xf32, #tpu.memory_space<vmem>>, vector<1x128xf32>
    %dot_general3A_91 = arith.constant dense<0.000000e+00> : vector<10000x128xf32>
    %dot_general3A_92 = tpu.matmul %mul3A, %get3A_75, %dot_general3A_91 {dimension_numbers = #tpu.dot_dimension_numbers<[1], [0], [0], [1], [0, 0, 1, 1], [], []>, transpose_lhs_hint = false} : vector<10000x128xf32>, vector<128x128xf32>, vector<10000x128xf32> -> vector<10000x128xf32>
    %add3A_93 = vector.broadcast %get3A_78 : vector<1x128xf32> to vector<10000x128xf32>
    %add3A_94 = arith.addf %dot_general3A_92, %add3A_93 : vector<10000x128xf32>
    %reduce_sum3A_95 = arith.constant dense<0.000000e+00> : vector<128xf32>
    %reduce_sum3A_96 = vector.multi_reduction <add>, %add3A_94, %reduce_sum3A_95 [0] : vector<10000x128xf32> to vector<128xf32>
    %div3A_97 = arith.constant 1.000000e+04 : f32
    %div3A_98 = vector.broadcast %div3A_97 : f32 to vector<128xf32>
    %div3A_99 = arith.divf %reduce_sum3A_96, %div3A_98 : vector<128xf32>
    %jit3A_100 = arith.constant 0 : i32
    %reduce_sum3A_101 = arith.constant dense<0.000000e+00> : vector<128xf32>
    %reduce_sum3A_102 = vector.multi_reduction <add>, %add3A_94, %reduce_sum3A_101 [0] : vector<10000x128xf32> to vector<128xf32>
    %broadcast_in_dim3A_103 = vector.shape_cast %reduce_sum3A_102 : vector<128xf32> to vector<1x128xf32>
    %div3A_104 = arith.constant 1.000000e+04 : f32
    %div3A_105 = vector.broadcast %div3A_104 : f32 to vector<1x128xf32>
    %div3A_106 = arith.divf %broadcast_in_dim3A_103, %div3A_105 : vector<1x128xf32>
    %sub3A_107 = vector.broadcast %div3A_106 : vector<1x128xf32> to vector<10000x128xf32>
    %sub3A_108 = arith.subf %add3A_94, %sub3A_107 : vector<10000x128xf32>
    %square3A_109 = arith.mulf %sub3A_108, %sub3A_108 : vector<10000x128xf32>
    %convert_element_type3A_110 = arith.sitofp %jit3A_100 : i32 to f32
    %sub3A_111 = arith.constant 1.000000e+04 : f32
    %sub3A_112 = arith.subf %sub3A_111, %convert_element_type3A_110 : f32
    %reduce_sum3A_113 = arith.constant dense<0.000000e+00> : vector<128xf32>
    %reduce_sum3A_114 = vector.multi_reduction <add>, %square3A_109, %reduce_sum3A_113 [0] : vector<10000x128xf32> to vector<128xf32>
    %div3A_115 = vector.broadcast %sub3A_112 : f32 to vector<128xf32>
    %div3A_116 = arith.divf %reduce_sum3A_114, %div3A_115 : vector<128xf32>
    %gt3A_117 = arith.constant 0.000000e+00 : f32
    %gt3A_118 = arith.cmpf ogt, %sub3A_112, %gt3A_117 : f32
    %jit3A_119 = arith.constant 0x7FC00000 : f32
    %broadcast_in_dim3A_120 = vector.broadcast %jit3A_119 : f32 to vector<128xf32>
    %select_n3A_121 = arith.select %gt3A_118, %div3A_116, %broadcast_in_dim3A_120 : vector<128xf32>
    %broadcast_in_dim3A_122 = vector.shape_cast %div3A_99 : vector<128xf32> to vector<1x128xf32>
    %sub3A_123 = vector.broadcast %broadcast_in_dim3A_122 : vector<1x128xf32> to vector<10000x128xf32>
    %sub3A_124 = arith.subf %add3A_94, %sub3A_123 : vector<10000x128xf32>
    %add3A_125 = arith.constant 9.99999974E-6 : f32
    %add3A_126 = vector.broadcast %add3A_125 : f32 to vector<128xf32>
    %add3A_127 = arith.addf %select_n3A_121, %add3A_126 : vector<128xf32>
    %sqrt3A_128 = math.sqrt %add3A_127 : vector<128xf32>
    %broadcast_in_dim3A_129 = vector.shape_cast %sqrt3A_128 : vector<128xf32> to vector<1x128xf32>
    %div3A_130 = vector.broadcast %broadcast_in_dim3A_129 : vector<1x128xf32> to vector<10000x128xf32>
    %div3A_131 = arith.divf %sub3A_124, %div3A_130 : vector<10000x128xf32>
    %mul3A_132 = vector.broadcast %get3A_81 : vector<1x128xf32> to vector<10000x128xf32>
    %mul3A_133 = arith.mulf %div3A_131, %mul3A_132 : vector<10000x128xf32>
    %add3A_134 = vector.broadcast %get3A_84 : vector<1x128xf32> to vector<10000x128xf32>
    %add3A_135 = arith.addf %mul3A_133, %add3A_134 : vector<10000x128xf32>
    %max3A_136 = arith.constant 0.000000e+00 : f32
    %max3A_137 = vector.broadcast %max3A_136 : f32 to vector<10000x128xf32>
    %max3A_138 = arith.maximumf %add3A_135, %max3A_137 : vector<10000x128xf32>
    %dot_general3A_139 = arith.constant dense<0.000000e+00> : vector<10000x128xf32>
    %dot_general3A_140 = tpu.matmul %max3A_138, %get3A_87, %dot_general3A_139 {dimension_numbers = #tpu.dot_dimension_numbers<[1], [0], [0], [1], [0, 0, 1, 1], [], []>, transpose_lhs_hint = false} : vector<10000x128xf32>, vector<128x128xf32>, vector<10000x128xf32> -> vector<10000x128xf32>
    %add3A_141 = vector.broadcast %get3A_90 : vector<1x128xf32> to vector<10000x128xf32>
    %add3A_142 = arith.addf %dot_general3A_140, %add3A_141 : vector<10000x128xf32>
    %concatenate3A = tpu.concatenate %add3A_72, %add3A_142 in 1 : vector<10000x128xf32>, vector<10000x128xf32> -> vector<10000x256xf32>
    %get3A_143 = arith.constant 0 : index
    %get3A_144 = arith.constant 0 : index
    %get3A_145 = vector.load %arg15[%get3A_143, %get3A_144] : memref<256x128xf32, #tpu.memory_space<vmem>>, vector<256x128xf32>
    %get3A_146 = arith.constant 0 : index
    %get3A_147 = arith.constant 0 : index
    %get3A_148 = vector.load %arg16[%get3A_146, %get3A_147] : memref<1x128xf32, #tpu.memory_space<vmem>>, vector<1x128xf32>
    %get3A_149 = arith.constant 0 : index
    %get3A_150 = arith.constant 0 : index
    %get3A_151 = vector.load %arg17[%get3A_149, %get3A_150] : memref<1x128xf32, #tpu.memory_space<vmem>>, vector<1x128xf32>
    %get3A_152 = arith.constant 0 : index
    %get3A_153 = arith.constant 0 : index
    %get3A_154 = vector.load %arg18[%get3A_152, %get3A_153] : memref<1x128xf32, #tpu.memory_space<vmem>>, vector<1x128xf32>
    %get3A_155 = arith.constant 0 : index
    %get3A_156 = arith.constant 0 : index
    %get3A_157 = vector.load %arg19[%get3A_155, %get3A_156] : memref<128x128xf32, #tpu.memory_space<vmem>>, vector<128x128xf32>
    %get3A_158 = arith.constant 0 : index
    %get3A_159 = arith.constant 0 : index
    %get3A_160 = vector.load %arg20[%get3A_158, %get3A_159] : memref<1x128xf32, #tpu.memory_space<vmem>>, vector<1x128xf32>
    %dot_general3A_161 = arith.constant dense<0.000000e+00> : vector<10000x128xf32>
    %dot_general3A_162 = tpu.matmul %concatenate3A, %get3A_145, %dot_general3A_161 {dimension_numbers = #tpu.dot_dimension_numbers<[1], [0], [0], [1], [0, 0, 1, 1], [], []>, transpose_lhs_hint = false} : vector<10000x256xf32>, vector<256x128xf32>, vector<10000x128xf32> -> vector<10000x128xf32>
    %add3A_163 = vector.broadcast %get3A_148 : vector<1x128xf32> to vector<10000x128xf32>
    %add3A_164 = arith.addf %dot_general3A_162, %add3A_163 : vector<10000x128xf32>
    %reduce_sum3A_165 = arith.constant dense<0.000000e+00> : vector<128xf32>
    %reduce_sum3A_166 = vector.multi_reduction <add>, %add3A_164, %reduce_sum3A_165 [0] : vector<10000x128xf32> to vector<128xf32>
    %div3A_167 = arith.constant 1.000000e+04 : f32
    %div3A_168 = vector.broadcast %div3A_167 : f32 to vector<128xf32>
    %div3A_169 = arith.divf %reduce_sum3A_166, %div3A_168 : vector<128xf32>
    %jit3A_170 = arith.constant 0 : i32
    %reduce_sum3A_171 = arith.constant dense<0.000000e+00> : vector<128xf32>
    %reduce_sum3A_172 = vector.multi_reduction <add>, %add3A_164, %reduce_sum3A_171 [0] : vector<10000x128xf32> to vector<128xf32>
    %broadcast_in_dim3A_173 = vector.shape_cast %reduce_sum3A_172 : vector<128xf32> to vector<1x128xf32>
    %div3A_174 = arith.constant 1.000000e+04 : f32
    %div3A_175 = vector.broadcast %div3A_174 : f32 to vector<1x128xf32>
    %div3A_176 = arith.divf %broadcast_in_dim3A_173, %div3A_175 : vector<1x128xf32>
    %sub3A_177 = vector.broadcast %div3A_176 : vector<1x128xf32> to vector<10000x128xf32>
    %sub3A_178 = arith.subf %add3A_164, %sub3A_177 : vector<10000x128xf32>
    %square3A_179 = arith.mulf %sub3A_178, %sub3A_178 : vector<10000x128xf32>
    %convert_element_type3A_180 = arith.sitofp %jit3A_170 : i32 to f32
    %sub3A_181 = arith.constant 1.000000e+04 : f32
    %sub3A_182 = arith.subf %sub3A_181, %convert_element_type3A_180 : f32
    %reduce_sum3A_183 = arith.constant dense<0.000000e+00> : vector<128xf32>
    %reduce_sum3A_184 = vector.multi_reduction <add>, %square3A_179, %reduce_sum3A_183 [0] : vector<10000x128xf32> to vector<128xf32>
    %div3A_185 = vector.broadcast %sub3A_182 : f32 to vector<128xf32>
    %div3A_186 = arith.divf %reduce_sum3A_184, %div3A_185 : vector<128xf32>
    %gt3A_187 = arith.constant 0.000000e+00 : f32
    %gt3A_188 = arith.cmpf ogt, %sub3A_182, %gt3A_187 : f32
    %jit3A_189 = arith.constant 0x7FC00000 : f32
    %broadcast_in_dim3A_190 = vector.broadcast %jit3A_189 : f32 to vector<128xf32>
    %select_n3A_191 = arith.select %gt3A_188, %div3A_186, %broadcast_in_dim3A_190 : vector<128xf32>
    %broadcast_in_dim3A_192 = vector.shape_cast %div3A_169 : vector<128xf32> to vector<1x128xf32>
    %sub3A_193 = vector.broadcast %broadcast_in_dim3A_192 : vector<1x128xf32> to vector<10000x128xf32>
    %sub3A_194 = arith.subf %add3A_164, %sub3A_193 : vector<10000x128xf32>
    %add3A_195 = arith.constant 9.99999974E-6 : f32
    %add3A_196 = vector.broadcast %add3A_195 : f32 to vector<128xf32>
    %add3A_197 = arith.addf %select_n3A_191, %add3A_196 : vector<128xf32>
    %sqrt3A_198 = math.sqrt %add3A_197 : vector<128xf32>
    %broadcast_in_dim3A_199 = vector.shape_cast %sqrt3A_198 : vector<128xf32> to vector<1x128xf32>
    %div3A_200 = vector.broadcast %broadcast_in_dim3A_199 : vector<1x128xf32> to vector<10000x128xf32>
    %div3A_201 = arith.divf %sub3A_194, %div3A_200 : vector<10000x128xf32>
    %mul3A_202 = vector.broadcast %get3A_151 : vector<1x128xf32> to vector<10000x128xf32>
    %mul3A_203 = arith.mulf %div3A_201, %mul3A_202 : vector<10000x128xf32>
    %add3A_204 = vector.broadcast %get3A_154 : vector<1x128xf32> to vector<10000x128xf32>
    %add3A_205 = arith.addf %mul3A_203, %add3A_204 : vector<10000x128xf32>
    %max3A_206 = arith.constant 0.000000e+00 : f32
    %max3A_207 = vector.broadcast %max3A_206 : f32 to vector<10000x128xf32>
    %max3A_208 = arith.maximumf %add3A_205, %max3A_207 : vector<10000x128xf32>
    %dot_general3A_209 = arith.constant dense<0.000000e+00> : vector<10000x128xf32>
    %dot_general3A_210 = tpu.matmul %max3A_208, %get3A_157, %dot_general3A_209 {dimension_numbers = #tpu.dot_dimension_numbers<[1], [0], [0], [1], [0, 0, 1, 1], [], []>, transpose_lhs_hint = false} : vector<10000x128xf32>, vector<128x128xf32>, vector<10000x128xf32> -> vector<10000x128xf32>
    %add3A_211 = vector.broadcast %get3A_160 : vector<1x128xf32> to vector<10000x128xf32>
    %add3A_212 = arith.addf %dot_general3A_210, %add3A_211 : vector<10000x128xf32>
    %swap3A = arith.constant 0 : index
    %swap3A_213 = arith.constant 0 : index
    %swap3A_214 = vector.load %arg21[%swap3A, %swap3A_213] : memref<10000x128xf32, #tpu.memory_space<vmem>>, vector<10000x128xf32>
    tpu.vector_store %arg21[%swap3A, %swap3A_213], %add3A_212 {strides = array<i32>} : memref<10000x128xf32, #tpu.memory_space<vmem>>, vector<10000x128xf32>,
    return
  }
}

</mosaic_0001>

<sc_bundles>
// kernel: kernel.5.cloned.1.call-start
scs
__scs_entry_jumppad:
0x0: {  	(pc) =	sbr.rel $0x88, $3  }
0x1: {  	(tag) =	ssettag $0x0;
	lr =	simm.s32 $0x1  }
0x2: {  	[smem:$0x3F8D] =	sst lr;
	_ =	strace $0xD0000000  }
0x3: {  	_ = 	snop  }
0x4: {  	_ = 	snop  }
0x5: {  	_ = 	snop  }
0x6: {  	_ = 	snop  }
0x7: {  	_ = 	snop  }
__scs_overlays_trampoline_lowered:
0x8: {  	[smem:$0x3F9C] =	sst s0  }
0x9: {  	[smem:$0x3F9D] =	sst s1  }
0xa: {  	[smem:$0x3F9E] =	sst s2  }
0xb: {  	[smem:$0x3F9F] =	sst s3  }
0xc: {  	[smem:$0x3FA0] =	sst s4  }
0xd: {  	[smem:$0x3FA1] =	sst s5  }
0xe: {  	[smem:$0x3FA2] =	sst s6  }
0xf: {  	[smem:$0x3FA3] =	sst s7  }
0x10: {  	[smem:$0x3FA4] =	sst s8  }
0x11: {  	[smem:$0x3FA5] =	sst s9;
	s0 =	simm.s32 @!p0 $0x0  }
0x12: {  	s1 =	sld [smem:$0x3F8B];
	s0 =	simm.s32 @p0 $0x1  }
0x13: {  	[smem:$0x3FA6] =	sst s0;
	s0 =	simm.s32 @!p1 $0x0  }
0x14: {  	s2 =	sld [smem:$0x3F8A];
	s0 =	simm.s32 @p1 $0x1  }
0x15: {  	[smem:$0x3FA7] =	sst s0;
	s0 =	simm.s32 @!p2 $0x0  }
0x16: {  	s3 =	sld [smem:$0x3FDB];
	s0 =	simm.s32 @p2 $0x1  }
0x17: {  	s4 =	simm.s32 $0x1BF5;
	[smem:$0x3FA9] =	sst s0  }
0x18: {  	s0 =	sld [smem:$0x3F8C];
	_ =	swait.ge [sflag:s4], $0x0  }
0x19: {  	s7 =	sld [smem:$0x3F8D]  }
0x1a: {  	s8 =	sadd.s32 $0xFFFFE003, lr  }
0x1b: {  	s9 =	sadd.s32 $0xFFFFFEF7, lr;
	s5 =	simm.s32 $0xFFFFFFFF;
	p2 =	slt.u32 s8, $0xFFFFF086  }
0x1c: {  	p1 =	slt.u32 s9, $0xF7A;
	s5 =	simm.s32 @!p2 $0x0  }
0x1d: {  	s5 =	simm.s32 @p1 $0x1;
	p0 =	seq.s32 s7, s2  }
0x1e: {  	s7 =	smul.u32 @!p0 $0xF7A, s2;
	p2 =	seq.s32 @!p0 s5, $0x0  }
0x1f: {  	s9 =	smul.u32 $0xF7A, s1;
	s8 =	simm.s32 @!p0 $0x1BF5;
	p2 =	por !p2, p0  }
0x20: {  	[sflag:s8] =	ssyncset.s32 @!p0 $0xFFFFF086;
	s6 =	sadd.s32 @!p0 s3, s7;
	s7 =	simm.s32 @!p0 $0x108  }
0x21: {  	s3 =	sadd.s32 s3, s9;
	s6 =	sadd.s32 @!p0 $0x88, s6;
	s7 =	simm.s32 @p2 $0x1082  }
0x22: {  	[simem:s7], [sflag:s8] =	dma.local @!p0 [hbm:s6], $0xF7A  }
0x23: {  	s9 =	sor.u32 $0xD0000000, s2;
	s6 =	simm.s32 $0x108;
	_ =	swait.ge @!p0 [sflag:s8], $0x0  }
0x24: {  	s3 =	sadd.s32 $0x88, s3;
	s6 =	simm.s32 @!p1 $0x1082;
	[sflag:s4] =	ssyncset.s32 $0xFFFFF086  }
0x25: {  	[simem:s6], [sflag:s4] =	dma.local [hbm:s3], $0xF7A  }
0x26: {  	[smem:$0x3F8D] =	sst s1;
	(tag) =	ssettag s2;
	_ =	strace s9  }
0x27: {  	s1 =	sld [smem:$0x3F9D]  }
0x28: {  	s2 =	sld [smem:$0x3F9E]  }
0x29: {  	s4 =	sld [smem:$0x3FA0]  }
0x2a: {  	p0 =	seq.s32 s5, $0x0;
	s5 =	sld [smem:$0x3FA1]  }
0x2b: {  	s6 =	sld [smem:$0x3FA2]  }
0x2c: {  	s7 =	sld [smem:$0x3FA3]  }
0x2d: {  	s3 =	simm.s32 $0x108;
	s8 =	sld [smem:$0x3FA4]  }
0x2e: {  	s3 =	simm.s32 @!p0 $0x1082;
	s9 =	sld [smem:$0x3FA5]  }
0x2f: {  	lr =	sadd.s32 s0, s3;
	s0 =	sld [smem:$0x3F9C]  }
0x30: {  	s3 =	sld [smem:$0x3F9F]  }
0x31: {  	[smem:$0x3FA8] =	sst s10  }
0x32: {  	s10 =	sld [smem:$0x3FA6];
	_ =	sdelay $0x3  }
0x33: {  	p0 =	seq.s32 s10, $0x1;
	s10 =	sld [smem:$0x3FA8];
	_ =	sdelay $0x3  }
0x34: {  	[smem:$0x3FA8] =	sst s10  }
0x35: {  	s10 =	sld [smem:$0x3FA7];
	_ =	sdelay $0x3  }
0x36: {  	p1 =	seq.s32 s10, $0x1;
	s10 =	sld [smem:$0x3FA8];
	_ =	sdelay $0x3  }
0x37: {  	[smem:$0x3FA8] =	sst s10  }
0x38: {  	s10 =	sld [smem:$0x3FA9]  }
0x39: {  	_ = 	snop;
	(pc) =	sbr.ind lr, $3  }
0x3a: {  	_ = 	snop  }
0x3b: {  	_ = 	snop  }
0x3c: {  	p2 =	seq.s32 s10, $0x1;
	s10 =	sld [smem:$0x3FA8]  }
0x3d: {  	_ =	shalt  }
0x3e: {  	_ =	shalt  }
0x3f: {  	_ =	shalt  }
0x40: {  	_ =	shalt  }
0x41: {  	_ =	shalt  }
0x42: {  	_ =	shalt  }
0x43: {  	_ =	shalt  }
0x44: {  	_ =	shalt  }
0x45: {  	_ =	shalt  }
0x46: {  	_ =	shalt  }
0x47: {  	_ =	shalt  }
0x48: {  	_ =	shalt  }
0x49: {  	_ =	shalt  }
0x4a: {  	_ =	shalt  }
0x4b: {  	_ =	shalt  }
0x4c: {  	_ =	shalt  }
0x4d: {  	_ =	shalt  }
0x4e: {  	_ =	shalt  }
0x4f: {  	_ =	shalt  }
0x50: {  	_ =	shalt  }
0x51: {  	_ =	shalt  }
0x52: {  	_ =	shalt  }
0x53: {  	_ =	shalt  }
0x54: {  	_ =	shalt  }
0x55: {  	_ =	shalt  }
0x56: {  	_ =	shalt  }
0x57: {  	_ =	shalt  }
0x58: {  	_ =	shalt  }
0x59: {  	_ =	shalt  }
0x5a: {  	_ =	shalt  }
0x5b: {  	_ =	shalt  }
0x5c: {  	_ =	shalt  }
0x5d: {  	_ =	shalt  }
0x5e: {  	_ =	shalt  }
0x5f: {  	_ =	shalt  }
0x60: {  	_ =	shalt  }
0x61: {  	_ =	shalt  }
0x62: {  	_ =	shalt  }
0x63: {  	_ =	shalt  }
0x64: {  	_ =	shalt  }
0x65: {  	_ =	shalt  }
0x66: {  	_ =	shalt  }
0x67: {  	_ =	shalt  }
0x68: {  	_ =	shalt  }
0x69: {  	_ =	shalt  }
0x6a: {  	_ =	shalt  }
0x6b: {  	_ =	shalt  }
0x6c: {  	_ =	shalt  }
0x6d: {  	_ =	shalt  }
0x6e: {  	_ =	shalt  }
0x6f: {  	_ =	shalt  }
0x70: {  	_ =	shalt  }
0x71: {  	_ =	shalt  }
0x72: {  	_ =	shalt  }
0x73: {  	_ =	shalt  }
0x74: {  	_ =	shalt  }
0x75: {  	_ =	shalt  }
0x76: {  	_ =	shalt  }
0x77: {  	_ =	shalt  }
0x78: {  	_ =	shalt  }
0x79: {  	_ =	shalt  }
0x7a: {  	_ =	shalt  }
0x7b: {  	_ =	shalt  }
0x7c: {  	_ =	shalt  }
0x7d: {  	_ =	shalt  }
0x7e: {  	_ =	shalt  }
0x7f: {  	_ =	shalt  }
0x80: {  	_ =	shalt  }
0x81: {  	_ =	shalt  }
0x82: {  	_ =	shalt  }
0x83: {  	_ =	shalt  }
0x84: {  	_ =	shalt  }
0x85: {  	_ =	shalt  }
0x86: {  	_ =	shalt  }
0x87: {  	_ =	shalt  }
.Lfunc_end0:
.L_simem_size_0:
called_computation_lowered:
.L_overlay_start_0:
0x88: {  	s2 =	sld [smem:$0x3FD9]  }
0x89: {  	s3 =	sld [smem:$0x3FFE];
	_ =	sdelay $0x1  }
0x8a: {  	s1 =	srdreg.scid  }
0x8b: {  	s0 =	sand.u32 $0x1, s1  }
0x8c: {  	s17 =	sshll.u32 s0, $0xA;
	s2 =	sadd.s32 s3, s2  }
0x8d: {  	s2 =	sadd.s32 s2, s17  }
0x8e: {  	[smem:$0x3FB4] =	sst s2  }
0x8f: {  	_ = 	snop  }
0x90: {  	s2 =	sld [smem:$0x3FD0];
	(tm) =	ssettm $0x1  }
0x91: {  	s18 =	sld [smem:$0x3FFB];
	_ =	sdelay $0x3  }
0x92: {  	_ =	strace s18  }
0x93: {  	s3 =	sld [smem:$0x3FFC];
	_ =	sdelay $0x3  }
0x94: {  	_ =	strace s3  }
0x95: {  	s3 =	sld [smem:$0x3FFD];
	_ =	sdelay $0x3  }
0x96: {  	_ =	strace s3  }
0x97: {  	_ =	strace $0x8FFFFFFF  }
0x98: {  	s19 =	sld [smem:$0x3FDB];
	_ =	sdelay $0x1  }
0x99: {  	s4 =	simm.s32 $_scs_section_size  }
0x9a: {  	s5 =	simm.s32 $_size__tile_overlayer_lowered;
	s6 =	simm.s32 $_tile_overlayer_lowered  }
0x9b: {  	s22 =	simm.s32 $0x1BFF;
	s21 =	sshll.u32 s6, $0x1;
	s3 =	sadd.s32 s4, s19  }
0x9c: {  	s7 =	simm.s32 $0x0;
	s20 =	sshll.u32 s5, $0x1;
	s5 =	sadd.s32 s21, s3  }
0x9d: {  	[timem:s7], [sflag:s22] =	dma.local [hbm:s5], s20  }
0x9e: {  	_ =	swait.ge [sflag:s22], s20  }
0x9f: {  	s4 =	ssub.s32 $0x0, s20;
	[sflag:s22] =	ssyncset.done $0x0  }
0xa0: {  	[sflag:s22] =	ssyncadd.s32 s4;
	_ =	sdelay $0x1  }
0xa1: {  	s23 =	simm.s32 $0x1B8B  }
0xa2: {  	_ =	swait.ge [sflag:s23], $0x1  }
0xa3: {  	[sflag:s23] =	ssyncset.done $0x0  }
0xa4: {  	s25 =	simm.s32 $0x1B8E;
	s24 =	sld [smem:$0x3FFE];
	[sflag:s23] =	ssyncadd.s32 $0xFFFFFFFF  }
0xa5: {  	s26 =	simm.s32 $execute0_lowered;
	[smem:$0x3FD2] =	sst s25  }
0xa6: {  	s5 =	sshll.u32 s26, $0x1;
	_ =	strace $0x80000046;
	[dreg:$0x1] =	wrdreg $0xFFFFFFFF  }
0xa7: {  	s28 =	simm.s32 $_size_execute0_lowered;
	s3 =	sadd.s32 s3, s5;
	[dreg:$0x0] =	wrdreg $0x0  }
0xa8: {  	s5 =	sshll.u32 s28, $0x1;
	[dreg:$0x2] =	wrdreg s3  }
0xa9: {  	[dreg:$0x3] =	wrdreg s5  }
0xaa: {  	[dreg:$0x4] =	wrdreg $0xC0  }
0xab: {  	_ =	task [dreg:s7], $0x5FFFF  }
0xac: {  	[dreg:$0x1] =	wrdreg $0xFFFFFFFF  }
0xad: {  	[dreg:$0x0] =	wrdreg $0x60  }
0xae: {  	[dreg:$0x2] =	wrdreg s2  }
0xaf: {  	[dreg:$0x3] =	wrdreg s24  }
0xb0: {  	[dreg:$0x4] =	wrdreg $0x41000  }
0xb1: {  	[dreg:$0x5] =	wrdreg $0x9  }
0xb2: {  	_ =	task.clear_ibuf [dreg:s7], $0x6FFFF;
	_ =	strace $0x90000046  }
0xb3: {  	s29 =	simm.s32 $0x9;
	_ =	strace $0x80000048  }
0xb4: {  	_ =	swait.ge [sflag:s29], $0x1  }
0xb5: {  	[sflag:s29] =	ssyncadd.s32 $0xFFFFFFFF  }
0xb6: {  	_ =	strace $0x90000048  }
0xb7: {  	_ =	sfence  }
0xb8: {  	s30 =	sld [smem:$0x0];
	_ =	sdelay $0x2  }
0xb9: {  	s31 =	sshll.u32 s1, $0xD;
	s1 =	sshrl.u32 s1, $0x2  }
0xba: {  	s3 =	sand.u32 $0x4000, s31;
	s1 =	sadd.s32 s1, s30  }
0xbb: {  	s0 =	sor.u32 s3, s0;
	s1 =	sshll.u32 s1, $0x11  }
0xbc: {  	s0 =	sor.u32 s1, s0  }
0xbd: {  	s0 =	sadd.s32 $0x8F2B, s0  }
0xbe: {  	[sflag:s0] =	ssyncadd.remote.s32 $0x1  }
0xbf: {  	_ =	sfence.sel $0xFFFF  }
0xc0: {  	[dreg:$0x0] =	wrdreg $0xFFFFFFFF;
	(pc) =	sbr.abs _section_cstart, $3  }
0xc1: {  	[dreg:$0x1] =	wrdreg $0xFFFFFFFF  }
0xc2: {  	_ =	task.clear_ibuf [dreg:s7], $0x2FFFF;
	_ =	strace $0x9FFFFFFF  }
0xc3: {  	(tm) =	ssettm $0x7FFFFFFF  }
tec
execute0_lowered:
.L_overlay_start_1:
0x0: {  	(tag) =	ssettag $0x1  }
0x1: {  	s2 =	rddreg [dreg:$0x0]  }
0x2: {  	s7 =	rddreg [dreg:$0x1]  }
0x3: {  	s3 =	rddreg [dreg:$0x2]  }
0x4: {  	s0 =	rddreg [dreg:$0x3]  }
0x5: {  	s1 =	stileid.u32;
	s5 =	srdreg.scid  }
0x6: {  	s4 =	simm.s32 $0x0;
	s15 =	simm.s32 $0x80;
	s16 =	simm.s32 $0x100  }
0x7: {  	s17 =	simm.s32 $0x1;
	s18 =	simm.s32 $0x0;
	s8 =	smul.u32 $0x13C00, s1  }
0x8: {  	s9 =	sand.u32 $0x1, s5;
	[smem:$0x7FF] =	sst s4;
	s5 =	sadd.s32 $0x2800, s7  }
0x9: {  	s6 =	sadd.s32 $0xE800, s7;
	s26 =	sshll.u32 s1, $0x1;
	s28 =	smul.u32 $0x4F000, s1  }
0xa: {  	s31 =	sshll.u32 s1, $0x6;
	s10 =	smul.u32 $0x13C000, s9;
	_ =	strace $0x80000047  }
0xb: {  	s11 =	ssub.s32 $0x2, s9;
	s29 =	sor.u32 s9, s26;
	p0 =	seq.s32 s9, $0x0  }
0xc: {  	s9 =	sor.u32 $0x1C02, s31;
	s25 =	sshrl.u32 s11, $0x1;
	s30 =	sshrl.u32 s28, $0x2  }
0xd: {  	s10 =	sadd.s32 s8, s10;
	s8 =	sshrl.u32 s8, $0x3;
	s13 =	ssub.s32 s11, s25  }
0xe: {  	s14 =	sadd.s32 s30, s3;
	s10 =	sshrl.u32 s10, $0x3;
	s8 =	sadd.s32 s8, s7  }
0xf: {  	s12 =	sadd.s32 s10, s7;
	s7 =	simm.s32 $0x2E80;
	s8 =	sadd.s32 $0x36000, s8  }
0x10: {  	s10 =	smul.u32 $0x3000, s29;
	s7 =	simm.s32 @!p0 $0x2000;
	s11 =	sadd.s32 $0x5D800, s12  }
0x11: {  	s12 =	smax.u32 s13, $0x1;
	s13 =	sshrl.u32 s14, $0x3;
	s14 =	simm.s32 $0x2  }
.LBB2_1:
0x12: {  	[spmem:s13], [sflag:s9] =	dma.local [hbm:s8], $0x2780  }
0x13: {  	p1 =	sne.s32 s7, $0x80  }
.Ltmp0:
0x14: {  	_ =	swait.ge [sflag:s14], $0x2780;
	(pc) =	sbr.rel @!p1 .LBB2_4-.Ltmp0, $4  }
0x15: {  	[sflag:s14] =	ssyncset.done $0x0  }
0x16: {  	s19 =	sand.u32 $0xFFFFFC00, s4;
	[sflag:s14] =	ssyncadd.s32 $0xFFFFD880  }
0x17: {  	s21 =	sand.u32 $0x380, s4;
	s19 =	sadd.s32 s10, s19;
	[bflag:$0x0] =	sbarrier.arrive $0xFFFF  }
0x18: {  	s20 =	simm.s32 $0x80;
	p0 =	por $0x0, $0x0;
	s21 =	sor.u32 s21, s19  }
0x19: {  	s19 =	sshrl.u32 s21, $0x3  }
0x1a: {  	s21 =	sadd.s32 s2, s19  }
0x1b: {  	[tilespmem:s4], [sflag:$0x2] =	stream.linear.gather [hbm4b:s21+s4], $0x80, $0x38;
	[tilespmem:$0x17D00] =	vst v63  }
0x1c: {  	_ =	swait.ge [sflag:s14], $0x80  }
0x1d: {  	[sflag:s14] =	ssyncset.done $0x0  }
0x1e: {  	s19 =	sadd.s32 s5, s19;
	[sflag:s14] =	ssyncadd.s32 $0xFFFFFF80  }
0x1f: {  	[tilespmem:s15], [sflag:$0x2] =	stream.linear.gather [hbm4b:s19+s4], $0x80, $0x38;
	[tilespmem:$0x17D00] =	vst v63  }
0x20: {  	_ =	swait.ge [sflag:s14], $0x80  }
0x21: {  	[sflag:s14] =	ssyncset.done $0x0  }
0x22: {  	[sflag:s14] =	ssyncadd.s32 $0xFFFFFF80  }
0x23: {  	[tilespmem:s16], [sflag:$0x1] =	stream.indirect.gather [hbm4b:s6+s15], $0x80, s4, s15, $0xb8;
	[tilespmem:$0x17D00] =	vst v63  }
0x24: {  	p1 =	sne.s32 s7, $0x100;
	_ =	swait.ge [sflag:s17], $0x4000  }
.Ltmp1:
0x25: {  	[sflag:s17] =	ssyncset.done $0x0;
	(pc) =	sbr.rel @!p1 .LBB2_4-.Ltmp1, $4  }
0x26: {  	s30 =	sand.u32 $0xFFFFFC00, s20;
	s31 =	sand.u32 $0x380, s20;
	[sflag:s17] =	ssyncadd.s32 $0xFFFFC000  }
0x27: {  	[spmem:s3] =	stream.indirect.scatter.add.f32 [tilespmem:s16], [sflag:$0x2], $0x80, s15, s15, $0xb8;
	[tilespmem:$0x17D00] =	vst v63  }
0x28: {  	p0 =	por $0x1, $0x1;
	s21 =	sadd.s32 s10, s30;
	_ =	swait.ge [sflag:s14], $0x4000  }
0x29: {  	s21 =	sor.u32 s31, s21;
	s19 =	simm.s32 $0x100;
	[sflag:s14] =	ssyncset.done $0x0  }
.LBB2_3:
0x2a: {  	s20 =	sshrl.u32 s21, $0x3  }
0x2b: {  	[sflag:s14] =	ssyncadd.s32 $0xFFFFC000;
	s21 =	smov.u32 s19;
	s19 =	sadd.s32 $0x80, s19  }
0x2c: {  	p1 =	sne.s32 s7, s19;
	s22 =	sadd.s32 s2, s20  }
0x2d: {  	[tilespmem:s4], [sflag:$0x2] =	stream.linear.gather [hbm4b:s22+s4], $0x80, $0x38;
	[tilespmem:$0x17D00] =	vst v63  }
0x2e: {  	_ =	swait.ge [sflag:s14], $0x80  }
0x2f: {  	[sflag:s14] =	ssyncset.done $0x0  }
0x30: {  	s20 =	sadd.s32 s5, s20;
	[sflag:s14] =	ssyncadd.s32 $0xFFFFFF80  }
0x31: {  	[tilespmem:s15], [sflag:$0x2] =	stream.linear.gather [hbm4b:s20+s4], $0x80, $0x38;
	[tilespmem:$0x17D00] =	vst v63  }
0x32: {  	_ =	swait.ge [sflag:s14], $0x80  }
0x33: {  	[sflag:s14] =	ssyncset.done $0x0  }
0x34: {  	[sflag:s14] =	ssyncadd.s32 $0xFFFFFF80  }
0x35: {  	[tilespmem:s16], [sflag:$0x1] =	stream.indirect.gather [hbm4b:s6+s15], $0x80, s4, s15, $0xb8;
	[tilespmem:$0x17D00] =	vst v63  }
0x36: {  	_ =	swait.ge [sflag:s17], $0x4000  }
.Ltmp2:
0x37: {  	[sflag:s17] =	ssyncset.done $0x0;
	(pc) =	sbr.rel @p1 .LBB2_3-.Ltmp2, $4  }
0x38: {  	s20 =	sand.u32 $0xFFFFFC00, s21;
	[sflag:s17] =	ssyncadd.s32 $0xFFFFC000  }
0x39: {  	[spmem:s3] =	stream.indirect.scatter.add.f32 [tilespmem:s16], [sflag:$0x2], $0x80, s15, s15, $0xb8;
	[tilespmem:$0x17D00] =	vst v63  }
0x3a: {  	s21 =	sand.u32 $0x380, s21;
	s20 =	sadd.s32 s10, s20;
	_ =	swait.ge [sflag:s14], $0x4000  }
0x3b: {  	s21 =	sor.u32 s21, s20;
	[sflag:s14] =	ssyncset.done $0x0  }
.LBB2_4:
0x3c: {  	s19 =	sshrl.u32 s21, $0x3  }
0x3d: {  	[sflag:s14] =	ssyncadd.s32 @p0 $0xFFFFC000;
	s20 =	sadd.s32 s2, s19  }
0x3e: {  	[tilespmem:s4], [sflag:$0x2] =	stream.linear.gather [hbm4b:s20+s4], $0x80, $0x38;
	[tilespmem:$0x17D00] =	vst v63  }
0x3f: {  	_ =	swait.ge [sflag:s14], $0x80  }
0x40: {  	[sflag:s14] =	ssyncset.done $0x0  }
0x41: {  	s19 =	sadd.s32 s5, s19;
	[sflag:s14] =	ssyncadd.s32 $0xFFFFFF80  }
0x42: {  	[tilespmem:s15], [sflag:$0x2] =	stream.linear.gather [hbm4b:s19+s4], $0x80, $0x38;
	[tilespmem:$0x17D00] =	vst v63  }
0x43: {  	_ =	swait.ge [sflag:s14], $0x80  }
0x44: {  	[sflag:s14] =	ssyncset.done $0x0  }
0x45: {  	[sflag:s14] =	ssyncadd.s32 $0xFFFFFF80  }
0x46: {  	[tilespmem:s16], [sflag:$0x1] =	stream.indirect.gather [hbm4b:s6+s15], $0x80, s4, s15, $0xb8;
	[tilespmem:$0x17D00] =	vst v63  }
0x47: {  	_ =	swait.ge [sflag:s17], $0x4000  }
0x48: {  	[sflag:s17] =	ssyncset.done $0x0  }
0x49: {  	[sflag:s17] =	ssyncadd.s32 $0xFFFFC000  }
0x4a: {  	[spmem:s3] =	stream.indirect.scatter.add.f32 [tilespmem:s16], [sflag:$0x2], $0x80, s15, s15, $0xb8;
	[tilespmem:$0x17D00] =	vst v63  }
0x4b: {  	_ =	swait.ge [sflag:s14], $0x4000  }
0x4c: {  	s18 =	sadd.s32 $0x1, s18;
	[sflag:s14] =	ssyncset.done $0x0  }
0x4d: {  	p0 =	sne.s32 s18, s12;
	[sflag:s14] =	ssyncadd.s32 $0xFFFFC000  }
.Ltmp3:
0x4e: {  	[bflag:$0x0] =	sbarrier.arrive $0xFFFF;
	(pc) =	sbr.rel @p0 .LBB2_1-.Ltmp3, $4  }
0x4f: {  	[hbm:s11], [sflag:s9] =	dma.local [spmem:s13], $0x2780  }
0x50: {  	_ =	swait.ge [sflag:s14], $0x2780  }
0x51: {  	[sflag:s14] =	ssyncset.done $0x0  }
0x52: {  	[sflag:s14] =	ssyncadd.s32 $0xFFFFD880  }
0x53: {  	_ =	sfence.sel $0x180000  }
0x54: {  	[bflag:$0x0] =	sbarrier.arrive $0xFFFF  }
0x55: {  	p0 =	sne.s32 s1, $0x0;
	_ =	strace $0x90000047  }
0x56: {  	s0 =	sadd.s32 @!p0 $0x100000, s0;
	[bflag:$0x2] =	sbarrier.arrive $0xFFFF  }
0x57: {  	[sflag:s0] =	ssyncadd.tile.s32 @!p0 $0x1;
	_ =	shalt  }
.Lfunc_end2:
_tile_overlayer_lowered:
.L_overlay_start_2:
0x58: {  	(tag) =	ssettag $0x2  }
0x59: {  	s0 =	rddreg [dreg:$0x0];
	s2 =	stileid.u32  }
0x5a: {  	s1 =	rddreg [dreg:$0x1];
	p0 =	sne.s32 s2, $0x0  }
0x5b: {  	s3 =	rddreg [dreg:$0x2];
	[bflag:$0x3] =	sbarrier.arrive $0xFFFF;
	s2 =	simm.s32 @!p0 $0x1C02  }
0x5c: {  	[timem:s3], [sflag:s2] =	dma.local @!p0 [hbm:s0], s1  }
0x5d: {  	s0 =	simm.s32 @!p0 $0x2  }
0x5e: {  	_ =	swait.ge @!p0 [sflag:s0], s1  }
0x5f: {  	s1 =	ssub.s32 @!p0 $0x0, s1;
	[sflag:s0] =	ssyncset.done @!p0 $0x0  }
0x60: {  	[sflag:s0] =	ssyncadd.s32 @!p0 s1  }
0x61: {  	[bflag:$0x3] =	sbarrier.arrive $0xFFFF  }
0x62: {  	_ =	shalt  }

</sc_bundles>
